<compile_context>
chip_gen: v7x
topology: tpu7x:2x2x1
jax: 0.10.2.dev20260603
libtpu: 0.0.44.dev20260713+nightly
codegen_flags: <defaults>
</compile_context>

<pallas_src>
import functools

import jax
import jax.numpy as jnp
from jax import lax
from jax.experimental import pallas as pl
from jax.experimental.pallas import tpu as pltpu

try:
    from jax.experimental.pallas import tpu_sc as plsc
except ImportError:
    plsc = None

NT = 2304
KT = 4096


def _argmin_body(nk, z_ref, cb_ref, idx_out_ref, bd_ref, bi_ref, esq_ref):
    k = pl.program_id(0)
    n = pl.program_id(1)
    nchunk = KT // 128

    z = z_ref[...]
    cb = cb_ref[...]

    @pl.when(n == 0)
    def _esq():
        esq_ref[...] = jnp.sum(cb * cb, axis=1)

    z_sq = jnp.sum(z * z, axis=1, keepdims=True)
    e_sq = esq_ref[...][None, :]
    z2 = z + z
    half = KT // 4

    sl = pl.ds(n * NT, NT)

    @pl.when(k == 0)
    def _init():
        bd_ref[sl, :] = jnp.full((NT, 128), jnp.inf, jnp.float32)
        bi_ref[sl, :] = jnp.zeros((NT, 128), jnp.int32)

    bd = bd_ref[sl, :]
    bi = bi_ref[sl, :]
    for h in range(4):
        lo = h * half
        prod2 = lax.dot_general(z2, cb[lo:lo + half, :],
                                (((1,), (1,)), ((), ())),
                                preferred_element_type=jnp.float32)
        dist = (z_sq - prod2) + e_sq[:, lo:lo + half]
        for c in range(half // 128):
            cand = dist[:, c * 128:(c + 1) * 128]
            chunk_id = k * nchunk + h * (half // 128) + c
            take = cand < bd
            bd = jnp.minimum(cand, bd)
            bi = jnp.where(take, chunk_id, bi)
    bd_ref[sl, :] = bd
    bi_ref[sl, :] = bi

    @pl.when(k == nk - 1)
    def _extract():
        lane = lax.broadcasted_iota(jnp.int32, (NT, 128), 1)
        full_idx = bi * 128 + lane
        m = jnp.min(bd, axis=1)
        masked = jnp.where(bd == m[:, None], full_idx, jnp.int32(1 << 30))
        idx_out_ref[sl] = jnp.min(masked, axis=1)


def _compute_indices(zf, codebook, n_start, n_count):
    d = zf.shape[1]
    n_codes = codebook.shape[0]
    nk = n_codes // KT
    n_out = n_count * NT

    grid_spec = pltpu.PrefetchScalarGridSpec(
        num_scalar_prefetch=0,
        grid=(nk, n_count),
        in_specs=[
            pl.BlockSpec((NT, d), lambda k, n: (n_start + n, 0)),
            pl.BlockSpec((KT, d), lambda k, n: (k, 0)),
        ],
        out_specs=pl.BlockSpec((n_out,), lambda k, n: (0,)),
        scratch_shapes=[
            pltpu.VMEM((n_out, 128), jnp.float32),
            pltpu.VMEM((n_out, 128), jnp.int32),
            pltpu.VMEM((KT,), jnp.float32),
        ],
    )
    return pl.pallas_call(
        functools.partial(_argmin_body, nk),
        grid_spec=grid_spec,
        out_shape=jax.ShapeDtypeStruct((n_out,), jnp.int32),
        compiler_params=pltpu.CompilerParams(
            dimension_semantics=("arbitrary", "arbitrary"),
        ),
    )(zf, codebook)


def _sc_gather(codebook, indices):
    n_tokens = indices.shape[0]
    d = codebook.shape[1]
    info = plsc.get_sparse_core_info()
    nc, ns = info.num_cores, info.num_subcores
    nw = nc * ns
    b_per_w = n_tokens // nw
    mesh = plsc.VectorSubcoreMesh(core_axis_name="c", subcore_axis_name="s")

    @functools.partial(
        pl.kernel,
        mesh=mesh,
        out_type=jax.ShapeDtypeStruct((n_tokens, d), jnp.float32),
        scratch_types=[
            pltpu.VMEM((b_per_w,), jnp.int32),
            pltpu.VMEM((b_per_w, d), jnp.float32),
            pltpu.SemaphoreType.DMA,
        ],
    )
    def gather_kernel(table_hbm, idx_hbm, out_hbm, idx_v, rows_v, sem):
        wid = lax.axis_index("s") * nc + lax.axis_index("c")
        base = wid * b_per_w
        pltpu.sync_copy(idx_hbm.at[pl.ds(base, b_per_w)], idx_v)
        pltpu.async_copy(table_hbm.at[idx_v], rows_v, sem).wait()
        pltpu.sync_copy(rows_v, out_hbm.at[pl.ds(base, b_per_w)])

    return gather_kernel(codebook, indices)


def kernel(z, codebook):
    b, t, d = z.shape
    zf = z.reshape(-1, d)
    nn = zf.shape[0] // NT
    i1 = _compute_indices(zf, codebook, 0, 1)
    q1 = _sc_gather(codebook, i1)
    i2 = _compute_indices(zf, codebook, 1, nn - 1)
    q2 = _sc_gather(codebook, i2)
    indices = jnp.concatenate([i1, i2])
    quantized = jnp.concatenate([q1, q2])
    return quantized.reshape(b, t, d), indices.reshape(b, t)

# --- scband reference (transcript-rebuilt; emitter-appended) ---
"""Pipeline reference for scband-vector-quantization-39728447488521 (READ-ONLY COPY).

The authoritative reference and input builder live on the scoring server;
editing this copy changes nothing except your own understanding.
"""

import jax, jax.numpy as jnp
import numpy as np


def setup_inputs(seed: int = 0) -> dict:
    key = jax.random.key(seed)
    k1, k2 = jax.random.split(key)
    z = jax.random.normal(k1, (8, 576, 256), dtype=jnp.float32)
    codebook = jax.random.normal(k2, (8192, 256), dtype=jnp.float32)
    return {"z": z, "codebook": codebook}


def reference(z, codebook):
    # Vector quantization: find nearest codebook entry for each token vector.
    B, T, D = z.shape
    zf = z.reshape(-1, D)  # [N, D]
    # squared L2 distances: ||z||^2 - 2 z e^T + ||e||^2  -> [N, K]
    z_sq = jnp.sum(zf * zf, axis=-1, keepdims=True)
    e_sq = jnp.sum(codebook * codebook, axis=-1)[None, :]
    dist = z_sq - 2.0 * (zf @ codebook.T) + e_sq
    indices = jnp.argmin(dist, axis=-1)  # [N]
    quantized = jnp.take(codebook, indices, axis=0).reshape(B, T, D)
    return quantized, indices.reshape(B, T)

if __name__ == "__main__":
    import jax
    _d = setup_inputs()
    print(jax.jit(kernel)(*tuple(_d.values())))

</pallas_src>

<mosaic_0001>
#map = affine_map<(d0, d1) -> (0, 0)>
#map1 = affine_map<(d0, d1) -> (0)>
module attributes {stable_mosaic.version = 14 : i64} {
  func.func @gather_kernel(%arg0: i32, %arg1: i32, %arg2: memref<8192x256xf32, #tpu.memory_space<hbm>>, %arg3: memref<2304xi32, #tpu.memory_space<hbm>>, %arg4: memref<2304x256xf32, #tpu.memory_space<hbm>>, %arg5: memref<72xi32, #tpu.memory_space<vmem>>, %arg6: memref<72x256xf32, #tpu.memory_space<vmem>>, %arg7: memref<!tpu.dma_semaphore, #tpu.memory_space<semaphore_mem>>) attributes {dimension_semantics = [#tpu.dimension_semantics<core_parallel>, #tpu.dimension_semantics<subcore_parallel>], iteration_bounds = array<i64: 2, 16>, scalar_prefetch = 0 : i64, scratch_operands = 3 : i64, tpu.core_type = #tpu.core_type<sc_vector_subcore>, window_params = [{transform_indices = #map}, {transform_indices = #map1}, {transform_indices = #map}]} {
    %mul3A = arith.constant 2 : i32
    %mul3A_0 = arith.muli %arg1, %mul3A : i32
    %add3A = arith.addi %mul3A_0, %arg0 : i32
    %mul3A_1 = arith.constant 72 : i32
    %mul3A_2 = arith.muli %add3A, %mul3A_1 : i32
    "tpu.region"() ({
      %run_scoped3A = tpu.sem_alloc : memref<!tpu.dma_semaphore, #tpu.memory_space<semaphore_mem>>
      %dma_start3A_7 = tpu.memref_slice %arg3[%mul3A_2] : memref<2304xi32, #tpu.memory_space<hbm>> -> memref<72xi32, #tpu.memory_space<hbm>>
      %dma_start3A_8 = tpu.memref_slice %arg3[%mul3A_2] : memref<2304xi32, #tpu.memory_space<hbm>> -> memref<72xi32, #tpu.memory_space<hbm>>
      tpu.enqueue_dma source(%dma_start3A_8 : memref<72xi32, #tpu.memory_space<hbm>>) target(%arg5 : memref<72xi32, #tpu.memory_space<vmem>>) target_semaphore(%run_scoped3A : memref<!tpu.dma_semaphore, #tpu.memory_space<semaphore_mem>>)
      %dma_wait3A_9 = tpu.memref_slice %arg3[%mul3A_2] : memref<2304xi32, #tpu.memory_space<hbm>> -> memref<72xi32, #tpu.memory_space<hbm>>
      %dma_wait3A_10 = tpu.memref_slice %arg3[%mul3A_2] : memref<2304xi32, #tpu.memory_space<hbm>> -> memref<72xi32, #tpu.memory_space<hbm>>
      tpu.wait_dma2 semaphore(%run_scoped3A : memref<!tpu.dma_semaphore, #tpu.memory_space<semaphore_mem>>) src(%dma_wait3A_10 : memref<72xi32, #tpu.memory_space<hbm>>) dst(%arg5 : memref<72xi32, #tpu.memory_space<vmem>>)
      tpu.yield
    }) : () -> ()
    %dma_start3A = arith.constant 0 : i32
    %dma_start3A_3 = arith.constant 0 : i32
    %dma_start3A_4 = tpu.memref_slice %arg2[%dma_start3A, %dma_start3A_3] : memref<8192x256xf32, #tpu.memory_space<hbm>> -> memref<8192x256xf32, #tpu.memory_space<hbm>>
    tpu.enqueue_indirect_dma source(%dma_start3A_4 : memref<8192x256xf32, #tpu.memory_space<hbm>>) target(%arg6 : memref<72x256xf32, #tpu.memory_space<vmem>>) offsets(%arg5 : memref<72xi32, #tpu.memory_space<vmem>>) semaphore(%arg7 : memref<!tpu.dma_semaphore, #tpu.memory_space<semaphore_mem>>)
    %dma_wait3A = arith.constant 0 : i32
    %dma_wait3A_5 = arith.constant 0 : i32
    %dma_wait3A_6 = tpu.memref_slice %arg2[%dma_wait3A, %dma_wait3A_5] : memref<8192x256xf32, #tpu.memory_space<hbm>> -> memref<8192x256xf32, #tpu.memory_space<hbm>>
    tpu.wait_indirect_dma semaphore(%arg7 : memref<!tpu.dma_semaphore, #tpu.memory_space<semaphore_mem>>) src(%dma_wait3A_6 : memref<8192x256xf32, #tpu.memory_space<hbm>>) dst(%arg6 : memref<72x256xf32, #tpu.memory_space<vmem>>)
    "tpu.region"() ({
      %run_scoped3A = tpu.sem_alloc : memref<!tpu.dma_semaphore, #tpu.memory_space<semaphore_mem>>
      %dma_start3A_7 = arith.constant 0 : i32
      %dma_start3A_8 = tpu.memref_slice %arg4[%mul3A_2, %dma_start3A_7] : memref<2304x256xf32, #tpu.memory_space<hbm>> -> memref<72x256xf32, #tpu.memory_space<hbm>>
      %dma_start3A_9 = arith.constant 0 : i32
      %dma_start3A_10 = tpu.memref_slice %arg4[%mul3A_2, %dma_start3A_9] : memref<2304x256xf32, #tpu.memory_space<hbm>> -> memref<72x256xf32, #tpu.memory_space<hbm>>
      tpu.enqueue_dma source(%arg6 : memref<72x256xf32, #tpu.memory_space<vmem>>) target(%dma_start3A_10 : memref<72x256xf32, #tpu.memory_space<hbm>>) target_semaphore(%run_scoped3A : memref<!tpu.dma_semaphore, #tpu.memory_space<semaphore_mem>>)
      %dma_wait3A_11 = arith.constant 0 : i32
      %dma_wait3A_12 = tpu.memref_slice %arg4[%mul3A_2, %dma_wait3A_11] : memref<2304x256xf32, #tpu.memory_space<hbm>> -> memref<72x256xf32, #tpu.memory_space<hbm>>
      %dma_wait3A_13 = arith.constant 0 : i32
      %dma_wait3A_14 = tpu.memref_slice %arg4[%mul3A_2, %dma_wait3A_13] : memref<2304x256xf32, #tpu.memory_space<hbm>> -> memref<72x256xf32, #tpu.memory_space<hbm>>
      tpu.wait_dma2 semaphore(%run_scoped3A : memref<!tpu.dma_semaphore, #tpu.memory_space<semaphore_mem>>) src(%arg6 : memref<72x256xf32, #tpu.memory_space<vmem>>) dst(%dma_wait3A_14 : memref<72x256xf32, #tpu.memory_space<hbm>>)
      tpu.yield
    }) : () -> ()
    return
  }
}

#map = affine_map<(d0, d1) -> (0, 0)>
#map1 = affine_map<(d0, d1) -> (0)>
module attributes {stable_mosaic.version = 14 : i64} {
  func.func @gather_kernel(%arg0: i32, %arg1: i32, %arg2: memref<8192x256xf32, #tpu.memory_space<hbm>>, %arg3: memref<2304xi32, #tpu.memory_space<hbm>>, %arg4: memref<2304x256xf32, #tpu.memory_space<hbm>>, %arg5: memref<72xi32, #tpu.memory_space<vmem>>, %arg6: memref<72x256xf32, #tpu.memory_space<vmem>>, %arg7: memref<!tpu.dma_semaphore, #tpu.memory_space<semaphore_mem>>) attributes {dimension_semantics = [#tpu.dimension_semantics<core_parallel>, #tpu.dimension_semantics<subcore_parallel>], iteration_bounds = array<i64: 2, 16>, scalar_prefetch = 0 : i64, scratch_operands = 3 : i64, tpu.core_type = #tpu.core_type<sc_vector_subcore>, window_params = [{transform_indices = #map}, {transform_indices = #map1}, {transform_indices = #map}]} {
    %mul3A = arith.constant 2 : i32
    %mul3A_0 = arith.muli %arg1, %mul3A : i32
    %add3A = arith.addi %mul3A_0, %arg0 : i32
    %mul3A_1 = arith.constant 72 : i32
    %mul3A_2 = arith.muli %add3A, %mul3A_1 : i32
    "tpu.region"() ({
      %run_scoped3A = tpu.sem_alloc : memref<!tpu.dma_semaphore, #tpu.memory_space<semaphore_mem>>
      %dma_start3A_7 = tpu.memref_slice %arg3[%mul3A_2] : memref<2304xi32, #tpu.memory_space<hbm>> -> memref<72xi32, #tpu.memory_space<hbm>>
      %dma_start3A_8 = tpu.memref_slice %arg3[%mul3A_2] : memref<2304xi32, #tpu.memory_space<hbm>> -> memref<72xi32, #tpu.memory_space<hbm>>
      tpu.enqueue_dma source(%dma_start3A_8 : memref<72xi32, #tpu.memory_space<hbm>>) target(%arg5 : memref<72xi32, #tpu.memory_space<vmem>>) target_semaphore(%run_scoped3A : memref<!tpu.dma_semaphore, #tpu.memory_space<semaphore_mem>>)
      %dma_wait3A_9 = tpu.memref_slice %arg3[%mul3A_2] : memref<2304xi32, #tpu.memory_space<hbm>> -> memref<72xi32, #tpu.memory_space<hbm>>
      %dma_wait3A_10 = tpu.memref_slice %arg3[%mul3A_2] : memref<2304xi32, #tpu.memory_space<hbm>> -> memref<72xi32, #tpu.memory_space<hbm>>
      tpu.wait_dma2 semaphore(%run_scoped3A : memref<!tpu.dma_semaphore, #tpu.memory_space<semaphore_mem>>) src(%dma_wait3A_10 : memref<72xi32, #tpu.memory_space<hbm>>) dst(%arg5 : memref<72xi32, #tpu.memory_space<vmem>>)
      tpu.yield
    }) : () -> ()
    %dma_start3A = arith.constant 0 : i32
    %dma_start3A_3 = arith.constant 0 : i32
    %dma_start3A_4 = tpu.memref_slice %arg2[%dma_start3A, %dma_start3A_3] : memref<8192x256xf32, #tpu.memory_space<hbm>> -> memref<8192x256xf32, #tpu.memory_space<hbm>>
    tpu.enqueue_indirect_dma source(%dma_start3A_4 : memref<8192x256xf32, #tpu.memory_space<hbm>>) target(%arg6 : memref<72x256xf32, #tpu.memory_space<vmem>>) offsets(%arg5 : memref<72xi32, #tpu.memory_space<vmem>>) semaphore(%arg7 : memref<!tpu.dma_semaphore, #tpu.memory_space<semaphore_mem>>)
    %dma_wait3A = arith.constant 0 : i32
    %dma_wait3A_5 = arith.constant 0 : i32
    %dma_wait3A_6 = tpu.memref_slice %arg2[%dma_wait3A, %dma_wait3A_5] : memref<8192x256xf32, #tpu.memory_space<hbm>> -> memref<8192x256xf32, #tpu.memory_space<hbm>>
    tpu.wait_indirect_dma semaphore(%arg7 : memref<!tpu.dma_semaphore, #tpu.memory_space<semaphore_mem>>) src(%dma_wait3A_6 : memref<8192x256xf32, #tpu.memory_space<hbm>>) dst(%arg6 : memref<72x256xf32, #tpu.memory_space<vmem>>)
    "tpu.region"() ({
      %run_scoped3A = tpu.sem_alloc : memref<!tpu.dma_semaphore, #tpu.memory_space<semaphore_mem>>
      %dma_start3A_7 = arith.constant 0 : i32
      %dma_start3A_8 = tpu.memref_slice %arg4[%mul3A_2, %dma_start3A_7] : memref<2304x256xf32, #tpu.memory_space<hbm>> -> memref<72x256xf32, #tpu.memory_space<hbm>>
      %dma_start3A_9 = arith.constant 0 : i32
      %dma_start3A_10 = tpu.memref_slice %arg4[%mul3A_2, %dma_start3A_9] : memref<2304x256xf32, #tpu.memory_space<hbm>> -> memref<72x256xf32, #tpu.memory_space<hbm>>
      tpu.enqueue_dma source(%arg6 : memref<72x256xf32, #tpu.memory_space<vmem>>) target(%dma_start3A_10 : memref<72x256xf32, #tpu.memory_space<hbm>>) target_semaphore(%run_scoped3A : memref<!tpu.dma_semaphore, #tpu.memory_space<semaphore_mem>>)
      %dma_wait3A_11 = arith.constant 0 : i32
      %dma_wait3A_12 = tpu.memref_slice %arg4[%mul3A_2, %dma_wait3A_11] : memref<2304x256xf32, #tpu.memory_space<hbm>> -> memref<72x256xf32, #tpu.memory_space<hbm>>
      %dma_wait3A_13 = arith.constant 0 : i32
      %dma_wait3A_14 = tpu.memref_slice %arg4[%mul3A_2, %dma_wait3A_13] : memref<2304x256xf32, #tpu.memory_space<hbm>> -> memref<72x256xf32, #tpu.memory_space<hbm>>
      tpu.wait_dma2 semaphore(%run_scoped3A : memref<!tpu.dma_semaphore, #tpu.memory_space<semaphore_mem>>) src(%arg6 : memref<72x256xf32, #tpu.memory_space<vmem>>) dst(%dma_wait3A_14 : memref<72x256xf32, #tpu.memory_space<hbm>>)
      tpu.yield
    }) : () -> ()
    return
  }
}

module attributes {stable_mosaic.version = 14 : i64} {
  func.func @_argmin_body(%arg0: i32, %arg1: i32, %arg2: memref<2304x256xf32, #tpu.memory_space<vmem>>, %arg3: memref<4096x256xf32, #tpu.memory_space<vmem>>, %arg4: memref<2304xi32, #tpu.memory_space<vmem>>, %arg5: memref<2304x128xf32, #tpu.memory_space<vmem>>, %arg6: memref<2304x128xi32, #tpu.memory_space<vmem>>, %arg7: memref<4096xf32, #tpu.memory_space<vmem>>) attributes {dimension_semantics = [#tpu.dimension_semantics<arbitrary>, #tpu.dimension_semantics<arbitrary>], iteration_bounds = array<i64: 2, 1>, scalar_prefetch = 0 : i64, scratch_operands = 3 : i64, tpu.core_type = #tpu.core_type<tc>, window_params = [{transform_indices = @transform_0, window_bounds = array<i64: 2304, 256>}, {transform_indices = @transform_1, window_bounds = array<i64: 4096, 256>}, {pipeline_mode = #tpu.pipeline_mode<synchronous>, transform_indices = @transform_2, window_bounds = array<i64: 2304>}]} {
    %get3A = arith.constant 0 : index
    %get3A_0 = arith.constant 0 : index
    %get3A_1 = vector.load %arg2[%get3A, %get3A_0] : memref<2304x256xf32, #tpu.memory_space<vmem>>, vector<2304x256xf32>
    %get3A_2 = arith.constant 0 : index
    %get3A_3 = arith.constant 0 : index
    %get3A_4 = vector.load %arg3[%get3A_2, %get3A_3] : memref<4096x256xf32, #tpu.memory_space<vmem>>, vector<4096x256xf32>
    %eq3A = arith.constant 0 : i32
    %eq3A_5 = arith.cmpi eq, %arg1, %eq3A : i32
    %convert_element_type3A = arith.extui %eq3A_5 : i1 to i32
    %cond3A = arith.constant 0 : i32
    %cond3A_6 = arith.cmpi ne, %convert_element_type3A, %cond3A : i32
    scf.if %cond3A_6 {
      %mul3A_412 = arith.mulf %get3A_4, %get3A_4 : vector<4096x256xf32>
      %reduce_sum3A_413 = arith.constant dense<0.000000e+00> : vector<4096xf32>
      %reduce_sum3A_414 = vector.multi_reduction <add>, %mul3A_412, %reduce_sum3A_413 [1] : vector<4096x256xf32> to vector<4096xf32>
      %swap3A_415 = arith.constant 0 : index
      %swap3A_416 = vector.load %arg7[%swap3A_415] : memref<4096xf32, #tpu.memory_space<vmem>>, vector<4096xf32>
      tpu.vector_store %arg7[%swap3A_415], %reduce_sum3A_414 {strides = array<i32>} : memref<4096xf32, #tpu.memory_space<vmem>>, vector<4096xf32>,
    } else {
    }
    %mul3A = arith.mulf %get3A_1, %get3A_1 : vector<2304x256xf32>
    %reduce_sum3A = arith.constant dense<0.000000e+00> : vector<2304xf32>
    %reduce_sum3A_7 = vector.multi_reduction <add>, %mul3A, %reduce_sum3A [1] : vector<2304x256xf32> to vector<2304xf32>
    %broadcast_in_dim3A = vector.shape_cast %reduce_sum3A_7 : vector<2304xf32> to vector<2304x1xf32>
    %get3A_8 = arith.constant 0 : index
    %get3A_9 = vector.load %arg7[%get3A_8] : memref<4096xf32, #tpu.memory_space<vmem>>, vector<4096xf32>
    %broadcast_in_dim3A_10 = vector.shape_cast %get3A_9 : vector<4096xf32> to vector<1x4096xf32>
    %add3A = arith.addf %get3A_1, %get3A_1 : vector<2304x256xf32>
    %mul3A_11 = arith.constant 2304 : i32
    %mul3A_12 = arith.muli %arg1, %mul3A_11 : i32
    %eq3A_13 = arith.constant 0 : i32
    %eq3A_14 = arith.cmpi eq, %arg0, %eq3A_13 : i32
    %convert_element_type3A_15 = arith.extui %eq3A_14 : i1 to i32
    %cond3A_16 = arith.constant 0 : i32
    %cond3A_17 = arith.cmpi ne, %convert_element_type3A_15, %cond3A_16 : i32
    scf.if %cond3A_17 {
      %broadcast_in_dim3A_412 = arith.constant 0x7F800000 : f32
      %broadcast_in_dim3A_413 = vector.broadcast %broadcast_in_dim3A_412 : f32 to vector<2304x128xf32>
      %swap3A_414 = arith.index_cast %mul3A_12 : i32 to index
      %swap3A_415 = arith.constant 0 : index
      %swap3A_416 = vector.load %arg5[%swap3A_414, %swap3A_415] : memref<2304x128xf32, #tpu.memory_space<vmem>>, vector<2304x128xf32>
      tpu.vector_store %arg5[%swap3A_414, %swap3A_415], %broadcast_in_dim3A_413 {strides = array<i32>} : memref<2304x128xf32, #tpu.memory_space<vmem>>, vector<2304x128xf32>,
      %broadcast_in_dim3A_417 = arith.constant 0 : i32
      %broadcast_in_dim3A_418 = vector.broadcast %broadcast_in_dim3A_417 : i32 to vector<2304x128xi32>
      %swap3A_419 = arith.index_cast %mul3A_12 : i32 to index
      %swap3A_420 = arith.constant 0 : index
      %swap3A_421 = vector.load %arg6[%swap3A_419, %swap3A_420] : memref<2304x128xi32, #tpu.memory_space<vmem>>, vector<2304x128xi32>
      tpu.vector_store %arg6[%swap3A_419, %swap3A_420], %broadcast_in_dim3A_418 {strides = array<i32>} : memref<2304x128xi32, #tpu.memory_space<vmem>>, vector<2304x128xi32>,
    } else {
    }
    %get3A_18 = arith.index_cast %mul3A_12 : i32 to index
    %get3A_19 = arith.constant 0 : index
    %get3A_20 = vector.load %arg5[%get3A_18, %get3A_19] : memref<2304x128xf32, #tpu.memory_space<vmem>>, vector<2304x128xf32>
    %get3A_21 = arith.index_cast %mul3A_12 : i32 to index
    %get3A_22 = arith.constant 0 : index
    %get3A_23 = vector.load %arg6[%get3A_21, %get3A_22] : memref<2304x128xi32, #tpu.memory_space<vmem>>, vector<2304x128xi32>
    %slice3A = vector.extract_strided_slice %get3A_4 {offsets = [0, 0], sizes = [1024, 256], strides = [1, 1]} : vector<4096x256xf32> to vector<1024x256xf32>
    %dot_general3A = arith.constant dense<0.000000e+00> : vector<2304x1024xf32>
    %dot_general3A_24 = tpu.matmul %add3A, %slice3A, %dot_general3A {dimension_numbers = #tpu.dot_dimension_numbers<[1], [1], [0], [0], [0, 0, 1, 0], [], []>, transpose_lhs_hint = false} : vector<2304x256xf32>, vector<1024x256xf32>, vector<2304x1024xf32> -> vector<2304x1024xf32>
    %sub3A = vector.broadcast %broadcast_in_dim3A : vector<2304x1xf32> to vector<2304x1024xf32>
    %sub3A_25 = arith.subf %sub3A, %dot_general3A_24 : vector<2304x1024xf32>
    %slice3A_26 = vector.extract_strided_slice %broadcast_in_dim3A_10 {offsets = [0, 0], sizes = [1, 1024], strides = [1, 1]} : vector<1x4096xf32> to vector<1x1024xf32>
    %add3A_27 = vector.broadcast %slice3A_26 : vector<1x1024xf32> to vector<2304x1024xf32>
    %add3A_28 = arith.addf %sub3A_25, %add3A_27 : vector<2304x1024xf32>
    %slice3A_29 = vector.extract_strided_slice %add3A_28 {offsets = [0, 0], sizes = [2304, 128], strides = [1, 1]} : vector<2304x1024xf32> to vector<2304x128xf32>
    %mul3A_30 = arith.constant 32 : i32
    %mul3A_31 = arith.muli %arg0, %mul3A_30 : i32
    %add3A_32 = arith.constant 0 : i32
    %add3A_33 = arith.addi %mul3A_31, %add3A_32 : i32
    %add3A_34 = arith.constant 0 : i32
    %add3A_35 = arith.addi %add3A_33, %add3A_34 : i32
    %lt3A = arith.cmpf olt, %slice3A_29, %get3A_20 : vector<2304x128xf32>
    %min3A = arith.minimumf %slice3A_29, %get3A_20 : vector<2304x128xf32>
    %broadcast_in_dim3A_36 = vector.broadcast %add3A_35 : i32 to vector<2304x128xi32>
    %select_n3A = arith.select %lt3A, %broadcast_in_dim3A_36, %get3A_23 : vector<2304x128xi1>, vector<2304x128xi32>
    %slice3A_37 = vector.extract_strided_slice %add3A_28 {offsets = [0, 128], sizes = [2304, 128], strides = [1, 1]} : vector<2304x1024xf32> to vector<2304x128xf32>
    %mul3A_38 = arith.constant 32 : i32
    %mul3A_39 = arith.muli %arg0, %mul3A_38 : i32
    %add3A_40 = arith.constant 0 : i32
    %add3A_41 = arith.addi %mul3A_39, %add3A_40 : i32
    %add3A_42 = arith.constant 1 : i32
    %add3A_43 = arith.addi %add3A_41, %add3A_42 : i32
    %lt3A_44 = arith.cmpf olt, %slice3A_37, %min3A : vector<2304x128xf32>
    %min3A_45 = arith.minimumf %slice3A_37, %min3A : vector<2304x128xf32>
    %broadcast_in_dim3A_46 = vector.broadcast %add3A_43 : i32 to vector<2304x128xi32>
    %select_n3A_47 = arith.select %lt3A_44, %broadcast_in_dim3A_46, %select_n3A : vector<2304x128xi1>, vector<2304x128xi32>
    %slice3A_48 = vector.extract_strided_slice %add3A_28 {offsets = [0, 256], sizes = [2304, 128], strides = [1, 1]} : vector<2304x1024xf32> to vector<2304x128xf32>
    %mul3A_49 = arith.constant 32 : i32
    %mul3A_50 = arith.muli %arg0, %mul3A_49 : i32
    %add3A_51 = arith.constant 0 : i32
    %add3A_52 = arith.addi %mul3A_50, %add3A_51 : i32
    %add3A_53 = arith.constant 2 : i32
    %add3A_54 = arith.addi %add3A_52, %add3A_53 : i32
    %lt3A_55 = arith.cmpf olt, %slice3A_48, %min3A_45 : vector<2304x128xf32>
    %min3A_56 = arith.minimumf %slice3A_48, %min3A_45 : vector<2304x128xf32>
    %broadcast_in_dim3A_57 = vector.broadcast %add3A_54 : i32 to vector<2304x128xi32>
    %select_n3A_58 = arith.select %lt3A_55, %broadcast_in_dim3A_57, %select_n3A_47 : vector<2304x128xi1>, vector<2304x128xi32>
    %slice3A_59 = vector.extract_strided_slice %add3A_28 {offsets = [0, 384], sizes = [2304, 128], strides = [1, 1]} : vector<2304x1024xf32> to vector<2304x128xf32>
    %mul3A_60 = arith.constant 32 : i32
    %mul3A_61 = arith.muli %arg0, %mul3A_60 : i32
    %add3A_62 = arith.constant 0 : i32
    %add3A_63 = arith.addi %mul3A_61, %add3A_62 : i32
    %add3A_64 = arith.constant 3 : i32
    %add3A_65 = arith.addi %add3A_63, %add3A_64 : i32
    %lt3A_66 = arith.cmpf olt, %slice3A_59, %min3A_56 : vector<2304x128xf32>
    %min3A_67 = arith.minimumf %slice3A_59, %min3A_56 : vector<2304x128xf32>
    %broadcast_in_dim3A_68 = vector.broadcast %add3A_65 : i32 to vector<2304x128xi32>
    %select_n3A_69 = arith.select %lt3A_66, %broadcast_in_dim3A_68, %select_n3A_58 : vector<2304x128xi1>, vector<2304x128xi32>
    %slice3A_70 = vector.extract_strided_slice %add3A_28 {offsets = [0, 512], sizes = [2304, 128], strides = [1, 1]} : vector<2304x1024xf32> to vector<2304x128xf32>
    %mul3A_71 = arith.constant 32 : i32
    %mul3A_72 = arith.muli %arg0, %mul3A_71 : i32
    %add3A_73 = arith.constant 0 : i32
    %add3A_74 = arith.addi %mul3A_72, %add3A_73 : i32
    %add3A_75 = arith.constant 4 : i32
    %add3A_76 = arith.addi %add3A_74, %add3A_75 : i32
    %lt3A_77 = arith.cmpf olt, %slice3A_70, %min3A_67 : vector<2304x128xf32>
    %min3A_78 = arith.minimumf %slice3A_70, %min3A_67 : vector<2304x128xf32>
    %broadcast_in_dim3A_79 = vector.broadcast %add3A_76 : i32 to vector<2304x128xi32>
    %select_n3A_80 = arith.select %lt3A_77, %broadcast_in_dim3A_79, %select_n3A_69 : vector<2304x128xi1>, vector<2304x128xi32>
    %slice3A_81 = vector.extract_strided_slice %add3A_28 {offsets = [0, 640], sizes = [2304, 128], strides = [1, 1]} : vector<2304x1024xf32> to vector<2304x128xf32>
    %mul3A_82 = arith.constant 32 : i32
    %mul3A_83 = arith.muli %arg0, %mul3A_82 : i32
    %add3A_84 = arith.constant 0 : i32
    %add3A_85 = arith.addi %mul3A_83, %add3A_84 : i32
    %add3A_86 = arith.constant 5 : i32
    %add3A_87 = arith.addi %add3A_85, %add3A_86 : i32
    %lt3A_88 = arith.cmpf olt, %slice3A_81, %min3A_78 : vector<2304x128xf32>
    %min3A_89 = arith.minimumf %slice3A_81, %min3A_78 : vector<2304x128xf32>
    %broadcast_in_dim3A_90 = vector.broadcast %add3A_87 : i32 to vector<2304x128xi32>
    %select_n3A_91 = arith.select %lt3A_88, %broadcast_in_dim3A_90, %select_n3A_80 : vector<2304x128xi1>, vector<2304x128xi32>
    %slice3A_92 = vector.extract_strided_slice %add3A_28 {offsets = [0, 768], sizes = [2304, 128], strides = [1, 1]} : vector<2304x1024xf32> to vector<2304x128xf32>
    %mul3A_93 = arith.constant 32 : i32
    %mul3A_94 = arith.muli %arg0, %mul3A_93 : i32
    %add3A_95 = arith.constant 0 : i32
    %add3A_96 = arith.addi %mul3A_94, %add3A_95 : i32
    %add3A_97 = arith.constant 6 : i32
    %add3A_98 = arith.addi %add3A_96, %add3A_97 : i32
    %lt3A_99 = arith.cmpf olt, %slice3A_92, %min3A_89 : vector<2304x128xf32>
    %min3A_100 = arith.minimumf %slice3A_92, %min3A_89 : vector<2304x128xf32>
    %broadcast_in_dim3A_101 = vector.broadcast %add3A_98 : i32 to vector<2304x128xi32>
    %select_n3A_102 = arith.select %lt3A_99, %broadcast_in_dim3A_101, %select_n3A_91 : vector<2304x128xi1>, vector<2304x128xi32>
    %slice3A_103 = vector.extract_strided_slice %add3A_28 {offsets = [0, 896], sizes = [2304, 128], strides = [1, 1]} : vector<2304x1024xf32> to vector<2304x128xf32>
    %mul3A_104 = arith.constant 32 : i32
    %mul3A_105 = arith.muli %arg0, %mul3A_104 : i32
    %add3A_106 = arith.constant 0 : i32
    %add3A_107 = arith.addi %mul3A_105, %add3A_106 : i32
    %add3A_108 = arith.constant 7 : i32
    %add3A_109 = arith.addi %add3A_107, %add3A_108 : i32
    %lt3A_110 = arith.cmpf olt, %slice3A_103, %min3A_100 : vector<2304x128xf32>
    %min3A_111 = arith.minimumf %slice3A_103, %min3A_100 : vector<2304x128xf32>
    %broadcast_in_dim3A_112 = vector.broadcast %add3A_109 : i32 to vector<2304x128xi32>
    %select_n3A_113 = arith.select %lt3A_110, %broadcast_in_dim3A_112, %select_n3A_102 : vector<2304x128xi1>, vector<2304x128xi32>
    %slice3A_114 = vector.extract_strided_slice %get3A_4 {offsets = [1024, 0], sizes = [1024, 256], strides = [1, 1]} : vector<4096x256xf32> to vector<1024x256xf32>
    %dot_general3A_115 = arith.constant dense<0.000000e+00> : vector<2304x1024xf32>
    %dot_general3A_116 = tpu.matmul %add3A, %slice3A_114, %dot_general3A_115 {dimension_numbers = #tpu.dot_dimension_numbers<[1], [1], [0], [0], [0, 0, 1, 0], [], []>, transpose_lhs_hint = false} : vector<2304x256xf32>, vector<1024x256xf32>, vector<2304x1024xf32> -> vector<2304x1024xf32>
    %sub3A_117 = vector.broadcast %broadcast_in_dim3A : vector<2304x1xf32> to vector<2304x1024xf32>
    %sub3A_118 = arith.subf %sub3A_117, %dot_general3A_116 : vector<2304x1024xf32>
    %slice3A_119 = vector.extract_strided_slice %broadcast_in_dim3A_10 {offsets = [0, 1024], sizes = [1, 1024], strides = [1, 1]} : vector<1x4096xf32> to vector<1x1024xf32>
    %add3A_120 = vector.broadcast %slice3A_119 : vector<1x1024xf32> to vector<2304x1024xf32>
    %add3A_121 = arith.addf %sub3A_118, %add3A_120 : vector<2304x1024xf32>
    %slice3A_122 = vector.extract_strided_slice %add3A_121 {offsets = [0, 0], sizes = [2304, 128], strides = [1, 1]} : vector<2304x1024xf32> to vector<2304x128xf32>
    %mul3A_123 = arith.constant 32 : i32
    %mul3A_124 = arith.muli %arg0, %mul3A_123 : i32
    %add3A_125 = arith.constant 8 : i32
    %add3A_126 = arith.addi %mul3A_124, %add3A_125 : i32
    %add3A_127 = arith.constant 0 : i32
    %add3A_128 = arith.addi %add3A_126, %add3A_127 : i32
    %lt3A_129 = arith.cmpf olt, %slice3A_122, %min3A_111 : vector<2304x128xf32>
    %min3A_130 = arith.minimumf %slice3A_122, %min3A_111 : vector<2304x128xf32>
    %broadcast_in_dim3A_131 = vector.broadcast %add3A_128 : i32 to vector<2304x128xi32>
    %select_n3A_132 = arith.select %lt3A_129, %broadcast_in_dim3A_131, %select_n3A_113 : vector<2304x128xi1>, vector<2304x128xi32>
    %slice3A_133 = vector.extract_strided_slice %add3A_121 {offsets = [0, 128], sizes = [2304, 128], strides = [1, 1]} : vector<2304x1024xf32> to vector<2304x128xf32>
    %mul3A_134 = arith.constant 32 : i32
    %mul3A_135 = arith.muli %arg0, %mul3A_134 : i32
    %add3A_136 = arith.constant 8 : i32
    %add3A_137 = arith.addi %mul3A_135, %add3A_136 : i32
    %add3A_138 = arith.constant 1 : i32
    %add3A_139 = arith.addi %add3A_137, %add3A_138 : i32
    %lt3A_140 = arith.cmpf olt, %slice3A_133, %min3A_130 : vector<2304x128xf32>
    %min3A_141 = arith.minimumf %slice3A_133, %min3A_130 : vector<2304x128xf32>
    %broadcast_in_dim3A_142 = vector.broadcast %add3A_139 : i32 to vector<2304x128xi32>
    %select_n3A_143 = arith.select %lt3A_140, %broadcast_in_dim3A_142, %select_n3A_132 : vector<2304x128xi1>, vector<2304x128xi32>
    %slice3A_144 = vector.extract_strided_slice %add3A_121 {offsets = [0, 256], sizes = [2304, 128], strides = [1, 1]} : vector<2304x1024xf32> to vector<2304x128xf32>
    %mul3A_145 = arith.constant 32 : i32
    %mul3A_146 = arith.muli %arg0, %mul3A_145 : i32
    %add3A_147 = arith.constant 8 : i32
    %add3A_148 = arith.addi %mul3A_146, %add3A_147 : i32
    %add3A_149 = arith.constant 2 : i32
    %add3A_150 = arith.addi %add3A_148, %add3A_149 : i32
    %lt3A_151 = arith.cmpf olt, %slice3A_144, %min3A_141 : vector<2304x128xf32>
    %min3A_152 = arith.minimumf %slice3A_144, %min3A_141 : vector<2304x128xf32>
    %broadcast_in_dim3A_153 = vector.broadcast %add3A_150 : i32 to vector<2304x128xi32>
    %select_n3A_154 = arith.select %lt3A_151, %broadcast_in_dim3A_153, %select_n3A_143 : vector<2304x128xi1>, vector<2304x128xi32>
    %slice3A_155 = vector.extract_strided_slice %add3A_121 {offsets = [0, 384], sizes = [2304, 128], strides = [1, 1]} : vector<2304x1024xf32> to vector<2304x128xf32>
    %mul3A_156 = arith.constant 32 : i32
    %mul3A_157 = arith.muli %arg0, %mul3A_156 : i32
    %add3A_158 = arith.constant 8 : i32
    %add3A_159 = arith.addi %mul3A_157, %add3A_158 : i32
    %add3A_160 = arith.constant 3 : i32
    %add3A_161 = arith.addi %add3A_159, %add3A_160 : i32
    %lt3A_162 = arith.cmpf olt, %slice3A_155, %min3A_152 : vector<2304x128xf32>
    %min3A_163 = arith.minimumf %slice3A_155, %min3A_152 : vector<2304x128xf32>
    %broadcast_in_dim3A_164 = vector.broadcast %add3A_161 : i32 to vector<2304x128xi32>
    %select_n3A_165 = arith.select %lt3A_162, %broadcast_in_dim3A_164, %select_n3A_154 : vector<2304x128xi1>, vector<2304x128xi32>
    %slice3A_166 = vector.extract_strided_slice %add3A_121 {offsets = [0, 512], sizes = [2304, 128], strides = [1, 1]} : vector<2304x1024xf32> to vector<2304x128xf32>
    %mul3A_167 = arith.constant 32 : i32
    %mul3A_168 = arith.muli %arg0, %mul3A_167 : i32
    %add3A_169 = arith.constant 8 : i32
    %add3A_170 = arith.addi %mul3A_168, %add3A_169 : i32
    %add3A_171 = arith.constant 4 : i32
    %add3A_172 = arith.addi %add3A_170, %add3A_171 : i32
    %lt3A_173 = arith.cmpf olt, %slice3A_166, %min3A_163 : vector<2304x128xf32>
    %min3A_174 = arith.minimumf %slice3A_166, %min3A_163 : vector<2304x128xf32>
    %broadcast_in_dim3A_175 = vector.broadcast %add3A_172 : i32 to vector<2304x128xi32>
    %select_n3A_176 = arith.select %lt3A_173, %broadcast_in_dim3A_175, %select_n3A_165 : vector<2304x128xi1>, vector<2304x128xi32>
    %slice3A_177 = vector.extract_strided_slice %add3A_121 {offsets = [0, 640], sizes = [2304, 128], strides = [1, 1]} : vector<2304x1024xf32> to vector<2304x128xf32>
    %mul3A_178 = arith.constant 32 : i32
    %mul3A_179 = arith.muli %arg0, %mul3A_178 : i32
    %add3A_180 = arith.constant 8 : i32
    %add3A_181 = arith.addi %mul3A_179, %add3A_180 : i32
    %add3A_182 = arith.constant 5 : i32
    %add3A_183 = arith.addi %add3A_181, %add3A_182 : i32
    %lt3A_184 = arith.cmpf olt, %slice3A_177, %min3A_174 : vector<2304x128xf32>
    %min3A_185 = arith.minimumf %slice3A_177, %min3A_174 : vector<2304x128xf32>
    %broadcast_in_dim3A_186 = vector.broadcast %add3A_183 : i32 to vector<2304x128xi32>
    %select_n3A_187 = arith.select %lt3A_184, %broadcast_in_dim3A_186, %select_n3A_176 : vector<2304x128xi1>, vector<2304x128xi32>
    %slice3A_188 = vector.extract_strided_slice %add3A_121 {offsets = [0, 768], sizes = [2304, 128], strides = [1, 1]} : vector<2304x1024xf32> to vector<2304x128xf32>
    %mul3A_189 = arith.constant 32 : i32
    %mul3A_190 = arith.muli %arg0, %mul3A_189 : i32
    %add3A_191 = arith.constant 8 : i32
    %add3A_192 = arith.addi %mul3A_190, %add3A_191 : i32
    %add3A_193 = arith.constant 6 : i32
    %add3A_194 = arith.addi %add3A_192, %add3A_193 : i32
    %lt3A_195 = arith.cmpf olt, %slice3A_188, %min3A_185 : vector<2304x128xf32>
    %min3A_196 = arith.minimumf %slice3A_188, %min3A_185 : vector<2304x128xf32>
    %broadcast_in_dim3A_197 = vector.broadcast %add3A_194 : i32 to vector<2304x128xi32>
    %select_n3A_198 = arith.select %lt3A_195, %broadcast_in_dim3A_197, %select_n3A_187 : vector<2304x128xi1>, vector<2304x128xi32>
    %slice3A_199 = vector.extract_strided_slice %add3A_121 {offsets = [0, 896], sizes = [2304, 128], strides = [1, 1]} : vector<2304x1024xf32> to vector<2304x128xf32>
    %mul3A_200 = arith.constant 32 : i32
    %mul3A_201 = arith.muli %arg0, %mul3A_200 : i32
    %add3A_202 = arith.constant 8 : i32
    %add3A_203 = arith.addi %mul3A_201, %add3A_202 : i32
    %add3A_204 = arith.constant 7 : i32
    %add3A_205 = arith.addi %add3A_203, %add3A_204 : i32
    %lt3A_206 = arith.cmpf olt, %slice3A_199, %min3A_196 : vector<2304x128xf32>
    %min3A_207 = arith.minimumf %slice3A_199, %min3A_196 : vector<2304x128xf32>
    %broadcast_in_dim3A_208 = vector.broadcast %add3A_205 : i32 to vector<2304x128xi32>
    %select_n3A_209 = arith.select %lt3A_206, %broadcast_in_dim3A_208, %select_n3A_198 : vector<2304x128xi1>, vector<2304x128xi32>
    %slice3A_210 = vector.extract_strided_slice %get3A_4 {offsets = [2048, 0], sizes = [1024, 256], strides = [1, 1]} : vector<4096x256xf32> to vector<1024x256xf32>
    %dot_general3A_211 = arith.constant dense<0.000000e+00> : vector<2304x1024xf32>
    %dot_general3A_212 = tpu.matmul %add3A, %slice3A_210, %dot_general3A_211 {dimension_numbers = #tpu.dot_dimension_numbers<[1], [1], [0], [0], [0, 0, 1, 0], [], []>, transpose_lhs_hint = false} : vector<2304x256xf32>, vector<1024x256xf32>, vector<2304x1024xf32> -> vector<2304x1024xf32>
    %sub3A_213 = vector.broadcast %broadcast_in_dim3A : vector<2304x1xf32> to vector<2304x1024xf32>
    %sub3A_214 = arith.subf %sub3A_213, %dot_general3A_212 : vector<2304x1024xf32>
    %slice3A_215 = vector.extract_strided_slice %broadcast_in_dim3A_10 {offsets = [0, 2048], sizes = [1, 1024], strides = [1, 1]} : vector<1x4096xf32> to vector<1x1024xf32>
    %add3A_216 = vector.broadcast %slice3A_215 : vector<1x1024xf32> to vector<2304x1024xf32>
    %add3A_217 = arith.addf %sub3A_214, %add3A_216 : vector<2304x1024xf32>
    %slice3A_218 = vector.extract_strided_slice %add3A_217 {offsets = [0, 0], sizes = [2304, 128], strides = [1, 1]} : vector<2304x1024xf32> to vector<2304x128xf32>
    %mul3A_219 = arith.constant 32 : i32
    %mul3A_220 = arith.muli %arg0, %mul3A_219 : i32
    %add3A_221 = arith.constant 16 : i32
    %add3A_222 = arith.addi %mul3A_220, %add3A_221 : i32
    %add3A_223 = arith.constant 0 : i32
    %add3A_224 = arith.addi %add3A_222, %add3A_223 : i32
    %lt3A_225 = arith.cmpf olt, %slice3A_218, %min3A_207 : vector<2304x128xf32>
    %min3A_226 = arith.minimumf %slice3A_218, %min3A_207 : vector<2304x128xf32>
    %broadcast_in_dim3A_227 = vector.broadcast %add3A_224 : i32 to vector<2304x128xi32>
    %select_n3A_228 = arith.select %lt3A_225, %broadcast_in_dim3A_227, %select_n3A_209 : vector<2304x128xi1>, vector<2304x128xi32>
    %slice3A_229 = vector.extract_strided_slice %add3A_217 {offsets = [0, 128], sizes = [2304, 128], strides = [1, 1]} : vector<2304x1024xf32> to vector<2304x128xf32>
    %mul3A_230 = arith.constant 32 : i32
    %mul3A_231 = arith.muli %arg0, %mul3A_230 : i32
    %add3A_232 = arith.constant 16 : i32
    %add3A_233 = arith.addi %mul3A_231, %add3A_232 : i32
    %add3A_234 = arith.constant 1 : i32
    %add3A_235 = arith.addi %add3A_233, %add3A_234 : i32
    %lt3A_236 = arith.cmpf olt, %slice3A_229, %min3A_226 : vector<2304x128xf32>
    %min3A_237 = arith.minimumf %slice3A_229, %min3A_226 : vector<2304x128xf32>
    %broadcast_in_dim3A_238 = vector.broadcast %add3A_235 : i32 to vector<2304x128xi32>
    %select_n3A_239 = arith.select %lt3A_236, %broadcast_in_dim3A_238, %select_n3A_228 : vector<2304x128xi1>, vector<2304x128xi32>
    %slice3A_240 = vector.extract_strided_slice %add3A_217 {offsets = [0, 256], sizes = [2304, 128], strides = [1, 1]} : vector<2304x1024xf32> to vector<2304x128xf32>
    %mul3A_241 = arith.constant 32 : i32
    %mul3A_242 = arith.muli %arg0, %mul3A_241 : i32
    %add3A_243 = arith.constant 16 : i32
    %add3A_244 = arith.addi %mul3A_242, %add3A_243 : i32
    %add3A_245 = arith.constant 2 : i32
    %add3A_246 = arith.addi %add3A_244, %add3A_245 : i32
    %lt3A_247 = arith.cmpf olt, %slice3A_240, %min3A_237 : vector<2304x128xf32>
    %min3A_248 = arith.minimumf %slice3A_240, %min3A_237 : vector<2304x128xf32>
    %broadcast_in_dim3A_249 = vector.broadcast %add3A_246 : i32 to vector<2304x128xi32>
    %select_n3A_250 = arith.select %lt3A_247, %broadcast_in_dim3A_249, %select_n3A_239 : vector<2304x128xi1>, vector<2304x128xi32>
    %slice3A_251 = vector.extract_strided_slice %add3A_217 {offsets = [0, 384], sizes = [2304, 128], strides = [1, 1]} : vector<2304x1024xf32> to vector<2304x128xf32>
    %mul3A_252 = arith.constant 32 : i32
    %mul3A_253 = arith.muli %arg0, %mul3A_252 : i32
    %add3A_254 = arith.constant 16 : i32
    %add3A_255 = arith.addi %mul3A_253, %add3A_254 : i32
    %add3A_256 = arith.constant 3 : i32
    %add3A_257 = arith.addi %add3A_255, %add3A_256 : i32
    %lt3A_258 = arith.cmpf olt, %slice3A_251, %min3A_248 : vector<2304x128xf32>
    %min3A_259 = arith.minimumf %slice3A_251, %min3A_248 : vector<2304x128xf32>
    %broadcast_in_dim3A_260 = vector.broadcast %add3A_257 : i32 to vector<2304x128xi32>
    %select_n3A_261 = arith.select %lt3A_258, %broadcast_in_dim3A_260, %select_n3A_250 : vector<2304x128xi1>, vector<2304x128xi32>
    %slice3A_262 = vector.extract_strided_slice %add3A_217 {offsets = [0, 512], sizes = [2304, 128], strides = [1, 1]} : vector<2304x1024xf32> to vector<2304x128xf32>
    %mul3A_263 = arith.constant 32 : i32
    %mul3A_264 = arith.muli %arg0, %mul3A_263 : i32
    %add3A_265 = arith.constant 16 : i32
    %add3A_266 = arith.addi %mul3A_264, %add3A_265 : i32
    %add3A_267 = arith.constant 4 : i32
    %add3A_268 = arith.addi %add3A_266, %add3A_267 : i32
    %lt3A_269 = arith.cmpf olt, %slice3A_262, %min3A_259 : vector<2304x128xf32>
    %min3A_270 = arith.minimumf %slice3A_262, %min3A_259 : vector<2304x128xf32>
    %broadcast_in_dim3A_271 = vector.broadcast %add3A_268 : i32 to vector<2304x128xi32>
    %select_n3A_272 = arith.select %lt3A_269, %broadcast_in_dim3A_271, %select_n3A_261 : vector<2304x128xi1>, vector<2304x128xi32>
    %slice3A_273 = vector.extract_strided_slice %add3A_217 {offsets = [0, 640], sizes = [2304, 128], strides = [1, 1]} : vector<2304x1024xf32> to vector<2304x128xf32>
    %mul3A_274 = arith.constant 32 : i32
    %mul3A_275 = arith.muli %arg0, %mul3A_274 : i32
    %add3A_276 = arith.constant 16 : i32
    %add3A_277 = arith.addi %mul3A_275, %add3A_276 : i32
    %add3A_278 = arith.constant 5 : i32
    %add3A_279 = arith.addi %add3A_277, %add3A_278 : i32
    %lt3A_280 = arith.cmpf olt, %slice3A_273, %min3A_270 : vector<2304x128xf32>
    %min3A_281 = arith.minimumf %slice3A_273, %min3A_270 : vector<2304x128xf32>
    %broadcast_in_dim3A_282 = vector.broadcast %add3A_279 : i32 to vector<2304x128xi32>
    %select_n3A_283 = arith.select %lt3A_280, %broadcast_in_dim3A_282, %select_n3A_272 : vector<2304x128xi1>, vector<2304x128xi32>
    %slice3A_284 = vector.extract_strided_slice %add3A_217 {offsets = [0, 768], sizes = [2304, 128], strides = [1, 1]} : vector<2304x1024xf32> to vector<2304x128xf32>
    %mul3A_285 = arith.constant 32 : i32
    %mul3A_286 = arith.muli %arg0, %mul3A_285 : i32
    %add3A_287 = arith.constant 16 : i32
    %add3A_288 = arith.addi %mul3A_286, %add3A_287 : i32
    %add3A_289 = arith.constant 6 : i32
    %add3A_290 = arith.addi %add3A_288, %add3A_289 : i32
    %lt3A_291 = arith.cmpf olt, %slice3A_284, %min3A_281 : vector<2304x128xf32>
    %min3A_292 = arith.minimumf %slice3A_284, %min3A_281 : vector<2304x128xf32>
    %broadcast_in_dim3A_293 = vector.broadcast %add3A_290 : i32 to vector<2304x128xi32>
    %select_n3A_294 = arith.select %lt3A_291, %broadcast_in_dim3A_293, %select_n3A_283 : vector<2304x128xi1>, vector<2304x128xi32>
    %slice3A_295 = vector.extract_strided_slice %add3A_217 {offsets = [0, 896], sizes = [2304, 128], strides = [1, 1]} : vector<2304x1024xf32> to vector<2304x128xf32>
    %mul3A_296 = arith.constant 32 : i32
    %mul3A_297 = arith.muli %arg0, %mul3A_296 : i32
    %add3A_298 = arith.constant 16 : i32
    %add3A_299 = arith.addi %mul3A_297, %add3A_298 : i32
    %add3A_300 = arith.constant 7 : i32
    %add3A_301 = arith.addi %add3A_299, %add3A_300 : i32
    %lt3A_302 = arith.cmpf olt, %slice3A_295, %min3A_292 : vector<2304x128xf32>
    %min3A_303 = arith.minimumf %slice3A_295, %min3A_292 : vector<2304x128xf32>
    %broadcast_in_dim3A_304 = vector.broadcast %add3A_301 : i32 to vector<2304x128xi32>
    %select_n3A_305 = arith.select %lt3A_302, %broadcast_in_dim3A_304, %select_n3A_294 : vector<2304x128xi1>, vector<2304x128xi32>
    %slice3A_306 = vector.extract_strided_slice %get3A_4 {offsets = [3072, 0], sizes = [1024, 256], strides = [1, 1]} : vector<4096x256xf32> to vector<1024x256xf32>
    %dot_general3A_307 = arith.constant dense<0.000000e+00> : vector<2304x1024xf32>
    %dot_general3A_308 = tpu.matmul %add3A, %slice3A_306, %dot_general3A_307 {dimension_numbers = #tpu.dot_dimension_numbers<[1], [1], [0], [0], [0, 0, 1, 0], [], []>, transpose_lhs_hint = false} : vector<2304x256xf32>, vector<1024x256xf32>, vector<2304x1024xf32> -> vector<2304x1024xf32>
    %sub3A_309 = vector.broadcast %broadcast_in_dim3A : vector<2304x1xf32> to vector<2304x1024xf32>
    %sub3A_310 = arith.subf %sub3A_309, %dot_general3A_308 : vector<2304x1024xf32>
    %slice3A_311 = vector.extract_strided_slice %broadcast_in_dim3A_10 {offsets = [0, 3072], sizes = [1, 1024], strides = [1, 1]} : vector<1x4096xf32> to vector<1x1024xf32>
    %add3A_312 = vector.broadcast %slice3A_311 : vector<1x1024xf32> to vector<2304x1024xf32>
    %add3A_313 = arith.addf %sub3A_310, %add3A_312 : vector<2304x1024xf32>
    %slice3A_314 = vector.extract_strided_slice %add3A_313 {offsets = [0, 0], sizes = [2304, 128], strides = [1, 1]} : vector<2304x1024xf32> to vector<2304x128xf32>
    %mul3A_315 = arith.constant 32 : i32
    %mul3A_316 = arith.muli %arg0, %mul3A_315 : i32
    %add3A_317 = arith.constant 24 : i32
    %add3A_318 = arith.addi %mul3A_316, %add3A_317 : i32
    %add3A_319 = arith.constant 0 : i32
    %add3A_320 = arith.addi %add3A_318, %add3A_319 : i32
    %lt3A_321 = arith.cmpf olt, %slice3A_314, %min3A_303 : vector<2304x128xf32>
    %min3A_322 = arith.minimumf %slice3A_314, %min3A_303 : vector<2304x128xf32>
    %broadcast_in_dim3A_323 = vector.broadcast %add3A_320 : i32 to vector<2304x128xi32>
    %select_n3A_324 = arith.select %lt3A_321, %broadcast_in_dim3A_323, %select_n3A_305 : vector<2304x128xi1>, vector<2304x128xi32>
    %slice3A_325 = vector.extract_strided_slice %add3A_313 {offsets = [0, 128], sizes = [2304, 128], strides = [1, 1]} : vector<2304x1024xf32> to vector<2304x128xf32>
    %mul3A_326 = arith.constant 32 : i32
    %mul3A_327 = arith.muli %arg0, %mul3A_326 : i32
    %add3A_328 = arith.constant 24 : i32
    %add3A_329 = arith.addi %mul3A_327, %add3A_328 : i32
    %add3A_330 = arith.constant 1 : i32
    %add3A_331 = arith.addi %add3A_329, %add3A_330 : i32
    %lt3A_332 = arith.cmpf olt, %slice3A_325, %min3A_322 : vector<2304x128xf32>
    %min3A_333 = arith.minimumf %slice3A_325, %min3A_322 : vector<2304x128xf32>
    %broadcast_in_dim3A_334 = vector.broadcast %add3A_331 : i32 to vector<2304x128xi32>
    %select_n3A_335 = arith.select %lt3A_332, %broadcast_in_dim3A_334, %select_n3A_324 : vector<2304x128xi1>, vector<2304x128xi32>
    %slice3A_336 = vector.extract_strided_slice %add3A_313 {offsets = [0, 256], sizes = [2304, 128], strides = [1, 1]} : vector<2304x1024xf32> to vector<2304x128xf32>
    %mul3A_337 = arith.constant 32 : i32
    %mul3A_338 = arith.muli %arg0, %mul3A_337 : i32
    %add3A_339 = arith.constant 24 : i32
    %add3A_340 = arith.addi %mul3A_338, %add3A_339 : i32
    %add3A_341 = arith.constant 2 : i32
    %add3A_342 = arith.addi %add3A_340, %add3A_341 : i32
    %lt3A_343 = arith.cmpf olt, %slice3A_336, %min3A_333 : vector<2304x128xf32>
    %min3A_344 = arith.minimumf %slice3A_336, %min3A_333 : vector<2304x128xf32>
    %broadcast_in_dim3A_345 = vector.broadcast %add3A_342 : i32 to vector<2304x128xi32>
    %select_n3A_346 = arith.select %lt3A_343, %broadcast_in_dim3A_345, %select_n3A_335 : vector<2304x128xi1>, vector<2304x128xi32>
    %slice3A_347 = vector.extract_strided_slice %add3A_313 {offsets = [0, 384], sizes = [2304, 128], strides = [1, 1]} : vector<2304x1024xf32> to vector<2304x128xf32>
    %mul3A_348 = arith.constant 32 : i32
    %mul3A_349 = arith.muli %arg0, %mul3A_348 : i32
    %add3A_350 = arith.constant 24 : i32
    %add3A_351 = arith.addi %mul3A_349, %add3A_350 : i32
    %add3A_352 = arith.constant 3 : i32
    %add3A_353 = arith.addi %add3A_351, %add3A_352 : i32
    %lt3A_354 = arith.cmpf olt, %slice3A_347, %min3A_344 : vector<2304x128xf32>
    %min3A_355 = arith.minimumf %slice3A_347, %min3A_344 : vector<2304x128xf32>
    %broadcast_in_dim3A_356 = vector.broadcast %add3A_353 : i32 to vector<2304x128xi32>
    %select_n3A_357 = arith.select %lt3A_354, %broadcast_in_dim3A_356, %select_n3A_346 : vector<2304x128xi1>, vector<2304x128xi32>
    %slice3A_358 = vector.extract_strided_slice %add3A_313 {offsets = [0, 512], sizes = [2304, 128], strides = [1, 1]} : vector<2304x1024xf32> to vector<2304x128xf32>
    %mul3A_359 = arith.constant 32 : i32
    %mul3A_360 = arith.muli %arg0, %mul3A_359 : i32
    %add3A_361 = arith.constant 24 : i32
    %add3A_362 = arith.addi %mul3A_360, %add3A_361 : i32
    %add3A_363 = arith.constant 4 : i32
    %add3A_364 = arith.addi %add3A_362, %add3A_363 : i32
    %lt3A_365 = arith.cmpf olt, %slice3A_358, %min3A_355 : vector<2304x128xf32>
    %min3A_366 = arith.minimumf %slice3A_358, %min3A_355 : vector<2304x128xf32>
    %broadcast_in_dim3A_367 = vector.broadcast %add3A_364 : i32 to vector<2304x128xi32>
    %select_n3A_368 = arith.select %lt3A_365, %broadcast_in_dim3A_367, %select_n3A_357 : vector<2304x128xi1>, vector<2304x128xi32>
    %slice3A_369 = vector.extract_strided_slice %add3A_313 {offsets = [0, 640], sizes = [2304, 128], strides = [1, 1]} : vector<2304x1024xf32> to vector<2304x128xf32>
    %mul3A_370 = arith.constant 32 : i32
    %mul3A_371 = arith.muli %arg0, %mul3A_370 : i32
    %add3A_372 = arith.constant 24 : i32
    %add3A_373 = arith.addi %mul3A_371, %add3A_372 : i32
    %add3A_374 = arith.constant 5 : i32
    %add3A_375 = arith.addi %add3A_373, %add3A_374 : i32
    %lt3A_376 = arith.cmpf olt, %slice3A_369, %min3A_366 : vector<2304x128xf32>
    %min3A_377 = arith.minimumf %slice3A_369, %min3A_366 : vector<2304x128xf32>
    %broadcast_in_dim3A_378 = vector.broadcast %add3A_375 : i32 to vector<2304x128xi32>
    %select_n3A_379 = arith.select %lt3A_376, %broadcast_in_dim3A_378, %select_n3A_368 : vector<2304x128xi1>, vector<2304x128xi32>
    %slice3A_380 = vector.extract_strided_slice %add3A_313 {offsets = [0, 768], sizes = [2304, 128], strides = [1, 1]} : vector<2304x1024xf32> to vector<2304x128xf32>
    %mul3A_381 = arith.constant 32 : i32
    %mul3A_382 = arith.muli %arg0, %mul3A_381 : i32
    %add3A_383 = arith.constant 24 : i32
    %add3A_384 = arith.addi %mul3A_382, %add3A_383 : i32
    %add3A_385 = arith.constant 6 : i32
    %add3A_386 = arith.addi %add3A_384, %add3A_385 : i32
    %lt3A_387 = arith.cmpf olt, %slice3A_380, %min3A_377 : vector<2304x128xf32>
    %min3A_388 = arith.minimumf %slice3A_380, %min3A_377 : vector<2304x128xf32>
    %broadcast_in_dim3A_389 = vector.broadcast %add3A_386 : i32 to vector<2304x128xi32>
    %select_n3A_390 = arith.select %lt3A_387, %broadcast_in_dim3A_389, %select_n3A_379 : vector<2304x128xi1>, vector<2304x128xi32>
    %slice3A_391 = vector.extract_strided_slice %add3A_313 {offsets = [0, 896], sizes = [2304, 128], strides = [1, 1]} : vector<2304x1024xf32> to vector<2304x128xf32>
    %mul3A_392 = arith.constant 32 : i32
    %mul3A_393 = arith.muli %arg0, %mul3A_392 : i32
    %add3A_394 = arith.constant 24 : i32
    %add3A_395 = arith.addi %mul3A_393, %add3A_394 : i32
    %add3A_396 = arith.constant 7 : i32
    %add3A_397 = arith.addi %add3A_395, %add3A_396 : i32
    %lt3A_398 = arith.cmpf olt, %slice3A_391, %min3A_388 : vector<2304x128xf32>
    %min3A_399 = arith.minimumf %slice3A_391, %min3A_388 : vector<2304x128xf32>
    %broadcast_in_dim3A_400 = vector.broadcast %add3A_397 : i32 to vector<2304x128xi32>
    %select_n3A_401 = arith.select %lt3A_398, %broadcast_in_dim3A_400, %select_n3A_390 : vector<2304x128xi1>, vector<2304x128xi32>
    %swap3A = arith.index_cast %mul3A_12 : i32 to index
    %swap3A_402 = arith.constant 0 : index
    %swap3A_403 = vector.load %arg5[%swap3A, %swap3A_402] : memref<2304x128xf32, #tpu.memory_space<vmem>>, vector<2304x128xf32>
    tpu.vector_store %arg5[%swap3A, %swap3A_402], %min3A_399 {strides = array<i32>} : memref<2304x128xf32, #tpu.memory_space<vmem>>, vector<2304x128xf32>,
    %swap3A_404 = arith.index_cast %mul3A_12 : i32 to index
    %swap3A_405 = arith.constant 0 : index
    %swap3A_406 = vector.load %arg6[%swap3A_404, %swap3A_405] : memref<2304x128xi32, #tpu.memory_space<vmem>>, vector<2304x128xi32>
    tpu.vector_store %arg6[%swap3A_404, %swap3A_405], %select_n3A_401 {strides = array<i32>} : memref<2304x128xi32, #tpu.memory_space<vmem>>, vector<2304x128xi32>,
    %eq3A_407 = arith.constant 1 : i32
    %eq3A_408 = arith.cmpi eq, %arg0, %eq3A_407 : i32
    %convert_element_type3A_409 = arith.extui %eq3A_408 : i1 to i32
    %cond3A_410 = arith.constant 0 : i32
    %cond3A_411 = arith.cmpi ne, %convert_element_type3A_409, %cond3A_410 : i32
    scf.if %cond3A_411 {
      %iota3A = tpu.iota {dimensions = array<i32: 1>} : vector<2304x128xi32>
      %mul3A_412 = arith.constant 128 : i32
      %mul3A_413 = vector.broadcast %mul3A_412 : i32 to vector<2304x128xi32>
      %mul3A_414 = arith.muli %select_n3A_401, %mul3A_413 : vector<2304x128xi32>
      %add3A_415 = arith.addi %mul3A_414, %iota3A : vector<2304x128xi32>
      %reduce_min3A = arith.constant dense<0x7F800000> : vector<2304xf32>
      %reduce_min3A_416 = vector.multi_reduction <minimumf>, %min3A_399, %reduce_min3A [1] : vector<2304x128xf32> to vector<2304xf32>
      %broadcast_in_dim3A_417 = vector.shape_cast %reduce_min3A_416 : vector<2304xf32> to vector<2304x1xf32>
      %eq3A_418 = vector.broadcast %broadcast_in_dim3A_417 : vector<2304x1xf32> to vector<2304x128xf32>
      %eq3A_419 = arith.cmpf oeq, %min3A_399, %eq3A_418 : vector<2304x128xf32>
      %jit3A = arith.constant 1073741824 : i32
      %broadcast_in_dim3A_420 = vector.broadcast %jit3A : i32 to vector<2304x128xi32>
      %select_n3A_421 = arith.select %eq3A_419, %add3A_415, %broadcast_in_dim3A_420 : vector<2304x128xi1>, vector<2304x128xi32>
      %reduce_min3A_422 = arith.constant dense<2147483647> : vector<2304xi32>
      %reduce_min3A_423 = vector.multi_reduction <minsi>, %select_n3A_421, %reduce_min3A_422 [1] : vector<2304x128xi32> to vector<2304xi32>
      %swap3A_424 = arith.index_cast %mul3A_12 : i32 to index
      %swap3A_425 = vector.load %arg4[%swap3A_424] : memref<2304xi32, #tpu.memory_space<vmem>>, vector<2304xi32>
      tpu.vector_store %arg4[%swap3A_424], %reduce_min3A_423 {strides = array<i32>} : memref<2304xi32, #tpu.memory_space<vmem>>, vector<2304xi32>,
    } else {
    }
    return
  }
  func.func @transform_0(%arg0: i32, %arg1: i32) -> (i32, i32) {
    %add3A = arith.constant 0 : i32
    %add3A_0 = arith.addi %add3A, %arg1 : i32
    %c0_i32 = arith.constant 0 : i32
    %c0_i32_1 = arith.constant 0 : i32
    return %add3A_0, %c0_i32 : i32, i32
  }
  func.func @transform_1(%arg0: i32, %arg1: i32) -> (i32, i32) {
    %c0_i32 = arith.constant 0 : i32
    %c0_i32_0 = arith.constant 0 : i32
    return %arg0, %c0_i32 : i32, i32
  }
  func.func @transform_2(%arg0: i32, %arg1: i32) -> i32 {
    %c0_i32 = arith.constant 0 : i32
    %c0_i32_0 = arith.constant 0 : i32
    return %c0_i32 : i32
  }
}

module attributes {stable_mosaic.version = 14 : i64} {
  func.func @_argmin_body(%arg0: i32, %arg1: i32, %arg2: memref<2304x256xf32, #tpu.memory_space<vmem>>, %arg3: memref<4096x256xf32, #tpu.memory_space<vmem>>, %arg4: memref<2304xi32, #tpu.memory_space<vmem>>, %arg5: memref<2304x128xf32, #tpu.memory_space<vmem>>, %arg6: memref<2304x128xi32, #tpu.memory_space<vmem>>, %arg7: memref<4096xf32, #tpu.memory_space<vmem>>) attributes {dimension_semantics = [#tpu.dimension_semantics<arbitrary>, #tpu.dimension_semantics<arbitrary>], iteration_bounds = array<i64: 2, 1>, scalar_prefetch = 0 : i64, scratch_operands = 3 : i64, tpu.core_type = #tpu.core_type<tc>, window_params = [{transform_indices = @transform_0, window_bounds = array<i64: 2304, 256>}, {transform_indices = @transform_1, window_bounds = array<i64: 4096, 256>}, {pipeline_mode = #tpu.pipeline_mode<synchronous>, transform_indices = @transform_2, window_bounds = array<i64: 2304>}]} {
    %get3A = arith.constant 0 : index
    %get3A_0 = arith.constant 0 : index
    %get3A_1 = vector.load %arg2[%get3A, %get3A_0] : memref<2304x256xf32, #tpu.memory_space<vmem>>, vector<2304x256xf32>
    %get3A_2 = arith.constant 0 : index
    %get3A_3 = arith.constant 0 : index
    %get3A_4 = vector.load %arg3[%get3A_2, %get3A_3] : memref<4096x256xf32, #tpu.memory_space<vmem>>, vector<4096x256xf32>
    %eq3A = arith.constant 0 : i32
    %eq3A_5 = arith.cmpi eq, %arg1, %eq3A : i32
    %convert_element_type3A = arith.extui %eq3A_5 : i1 to i32
    %cond3A = arith.constant 0 : i32
    %cond3A_6 = arith.cmpi ne, %convert_element_type3A, %cond3A : i32
    scf.if %cond3A_6 {
      %mul3A_412 = arith.mulf %get3A_4, %get3A_4 : vector<4096x256xf32>
      %reduce_sum3A_413 = arith.constant dense<0.000000e+00> : vector<4096xf32>
      %reduce_sum3A_414 = vector.multi_reduction <add>, %mul3A_412, %reduce_sum3A_413 [1] : vector<4096x256xf32> to vector<4096xf32>
      %swap3A_415 = arith.constant 0 : index
      %swap3A_416 = vector.load %arg7[%swap3A_415] : memref<4096xf32, #tpu.memory_space<vmem>>, vector<4096xf32>
      tpu.vector_store %arg7[%swap3A_415], %reduce_sum3A_414 {strides = array<i32>} : memref<4096xf32, #tpu.memory_space<vmem>>, vector<4096xf32>,
    } else {
    }
    %mul3A = arith.mulf %get3A_1, %get3A_1 : vector<2304x256xf32>
    %reduce_sum3A = arith.constant dense<0.000000e+00> : vector<2304xf32>
    %reduce_sum3A_7 = vector.multi_reduction <add>, %mul3A, %reduce_sum3A [1] : vector<2304x256xf32> to vector<2304xf32>
    %broadcast_in_dim3A = vector.shape_cast %reduce_sum3A_7 : vector<2304xf32> to vector<2304x1xf32>
    %get3A_8 = arith.constant 0 : index
    %get3A_9 = vector.load %arg7[%get3A_8] : memref<4096xf32, #tpu.memory_space<vmem>>, vector<4096xf32>
    %broadcast_in_dim3A_10 = vector.shape_cast %get3A_9 : vector<4096xf32> to vector<1x4096xf32>
    %add3A = arith.addf %get3A_1, %get3A_1 : vector<2304x256xf32>
    %mul3A_11 = arith.constant 2304 : i32
    %mul3A_12 = arith.muli %arg1, %mul3A_11 : i32
    %eq3A_13 = arith.constant 0 : i32
    %eq3A_14 = arith.cmpi eq, %arg0, %eq3A_13 : i32
    %convert_element_type3A_15 = arith.extui %eq3A_14 : i1 to i32
    %cond3A_16 = arith.constant 0 : i32
    %cond3A_17 = arith.cmpi ne, %convert_element_type3A_15, %cond3A_16 : i32
    scf.if %cond3A_17 {
      %broadcast_in_dim3A_412 = arith.constant 0x7F800000 : f32
      %broadcast_in_dim3A_413 = vector.broadcast %broadcast_in_dim3A_412 : f32 to vector<2304x128xf32>
      %swap3A_414 = arith.index_cast %mul3A_12 : i32 to index
      %swap3A_415 = arith.constant 0 : index
      %swap3A_416 = vector.load %arg5[%swap3A_414, %swap3A_415] : memref<2304x128xf32, #tpu.memory_space<vmem>>, vector<2304x128xf32>
      tpu.vector_store %arg5[%swap3A_414, %swap3A_415], %broadcast_in_dim3A_413 {strides = array<i32>} : memref<2304x128xf32, #tpu.memory_space<vmem>>, vector<2304x128xf32>,
      %broadcast_in_dim3A_417 = arith.constant 0 : i32
      %broadcast_in_dim3A_418 = vector.broadcast %broadcast_in_dim3A_417 : i32 to vector<2304x128xi32>
      %swap3A_419 = arith.index_cast %mul3A_12 : i32 to index
      %swap3A_420 = arith.constant 0 : index
      %swap3A_421 = vector.load %arg6[%swap3A_419, %swap3A_420] : memref<2304x128xi32, #tpu.memory_space<vmem>>, vector<2304x128xi32>
      tpu.vector_store %arg6[%swap3A_419, %swap3A_420], %broadcast_in_dim3A_418 {strides = array<i32>} : memref<2304x128xi32, #tpu.memory_space<vmem>>, vector<2304x128xi32>,
    } else {
    }
    %get3A_18 = arith.index_cast %mul3A_12 : i32 to index
    %get3A_19 = arith.constant 0 : index
    %get3A_20 = vector.load %arg5[%get3A_18, %get3A_19] : memref<2304x128xf32, #tpu.memory_space<vmem>>, vector<2304x128xf32>
    %get3A_21 = arith.index_cast %mul3A_12 : i32 to index
    %get3A_22 = arith.constant 0 : index
    %get3A_23 = vector.load %arg6[%get3A_21, %get3A_22] : memref<2304x128xi32, #tpu.memory_space<vmem>>, vector<2304x128xi32>
    %slice3A = vector.extract_strided_slice %get3A_4 {offsets = [0, 0], sizes = [1024, 256], strides = [1, 1]} : vector<4096x256xf32> to vector<1024x256xf32>
    %dot_general3A = arith.constant dense<0.000000e+00> : vector<2304x1024xf32>
    %dot_general3A_24 = tpu.matmul %add3A, %slice3A, %dot_general3A {dimension_numbers = #tpu.dot_dimension_numbers<[1], [1], [0], [0], [0, 0, 1, 0], [], []>, transpose_lhs_hint = false} : vector<2304x256xf32>, vector<1024x256xf32>, vector<2304x1024xf32> -> vector<2304x1024xf32>
    %sub3A = vector.broadcast %broadcast_in_dim3A : vector<2304x1xf32> to vector<2304x1024xf32>
    %sub3A_25 = arith.subf %sub3A, %dot_general3A_24 : vector<2304x1024xf32>
    %slice3A_26 = vector.extract_strided_slice %broadcast_in_dim3A_10 {offsets = [0, 0], sizes = [1, 1024], strides = [1, 1]} : vector<1x4096xf32> to vector<1x1024xf32>
    %add3A_27 = vector.broadcast %slice3A_26 : vector<1x1024xf32> to vector<2304x1024xf32>
    %add3A_28 = arith.addf %sub3A_25, %add3A_27 : vector<2304x1024xf32>
    %slice3A_29 = vector.extract_strided_slice %add3A_28 {offsets = [0, 0], sizes = [2304, 128], strides = [1, 1]} : vector<2304x1024xf32> to vector<2304x128xf32>
    %mul3A_30 = arith.constant 32 : i32
    %mul3A_31 = arith.muli %arg0, %mul3A_30 : i32
    %add3A_32 = arith.constant 0 : i32
    %add3A_33 = arith.addi %mul3A_31, %add3A_32 : i32
    %add3A_34 = arith.constant 0 : i32
    %add3A_35 = arith.addi %add3A_33, %add3A_34 : i32
    %lt3A = arith.cmpf olt, %slice3A_29, %get3A_20 : vector<2304x128xf32>
    %min3A = arith.minimumf %slice3A_29, %get3A_20 : vector<2304x128xf32>
    %broadcast_in_dim3A_36 = vector.broadcast %add3A_35 : i32 to vector<2304x128xi32>
    %select_n3A = arith.select %lt3A, %broadcast_in_dim3A_36, %get3A_23 : vector<2304x128xi1>, vector<2304x128xi32>
    %slice3A_37 = vector.extract_strided_slice %add3A_28 {offsets = [0, 128], sizes = [2304, 128], strides = [1, 1]} : vector<2304x1024xf32> to vector<2304x128xf32>
    %mul3A_38 = arith.constant 32 : i32
    %mul3A_39 = arith.muli %arg0, %mul3A_38 : i32
    %add3A_40 = arith.constant 0 : i32
    %add3A_41 = arith.addi %mul3A_39, %add3A_40 : i32
    %add3A_42 = arith.constant 1 : i32
    %add3A_43 = arith.addi %add3A_41, %add3A_42 : i32
    %lt3A_44 = arith.cmpf olt, %slice3A_37, %min3A : vector<2304x128xf32>
    %min3A_45 = arith.minimumf %slice3A_37, %min3A : vector<2304x128xf32>
    %broadcast_in_dim3A_46 = vector.broadcast %add3A_43 : i32 to vector<2304x128xi32>
    %select_n3A_47 = arith.select %lt3A_44, %broadcast_in_dim3A_46, %select_n3A : vector<2304x128xi1>, vector<2304x128xi32>
    %slice3A_48 = vector.extract_strided_slice %add3A_28 {offsets = [0, 256], sizes = [2304, 128], strides = [1, 1]} : vector<2304x1024xf32> to vector<2304x128xf32>
    %mul3A_49 = arith.constant 32 : i32
    %mul3A_50 = arith.muli %arg0, %mul3A_49 : i32
    %add3A_51 = arith.constant 0 : i32
    %add3A_52 = arith.addi %mul3A_50, %add3A_51 : i32
    %add3A_53 = arith.constant 2 : i32
    %add3A_54 = arith.addi %add3A_52, %add3A_53 : i32
    %lt3A_55 = arith.cmpf olt, %slice3A_48, %min3A_45 : vector<2304x128xf32>
    %min3A_56 = arith.minimumf %slice3A_48, %min3A_45 : vector<2304x128xf32>
    %broadcast_in_dim3A_57 = vector.broadcast %add3A_54 : i32 to vector<2304x128xi32>
    %select_n3A_58 = arith.select %lt3A_55, %broadcast_in_dim3A_57, %select_n3A_47 : vector<2304x128xi1>, vector<2304x128xi32>
    %slice3A_59 = vector.extract_strided_slice %add3A_28 {offsets = [0, 384], sizes = [2304, 128], strides = [1, 1]} : vector<2304x1024xf32> to vector<2304x128xf32>
    %mul3A_60 = arith.constant 32 : i32
    %mul3A_61 = arith.muli %arg0, %mul3A_60 : i32
    %add3A_62 = arith.constant 0 : i32
    %add3A_63 = arith.addi %mul3A_61, %add3A_62 : i32
    %add3A_64 = arith.constant 3 : i32
    %add3A_65 = arith.addi %add3A_63, %add3A_64 : i32
    %lt3A_66 = arith.cmpf olt, %slice3A_59, %min3A_56 : vector<2304x128xf32>
    %min3A_67 = arith.minimumf %slice3A_59, %min3A_56 : vector<2304x128xf32>
    %broadcast_in_dim3A_68 = vector.broadcast %add3A_65 : i32 to vector<2304x128xi32>
    %select_n3A_69 = arith.select %lt3A_66, %broadcast_in_dim3A_68, %select_n3A_58 : vector<2304x128xi1>, vector<2304x128xi32>
    %slice3A_70 = vector.extract_strided_slice %add3A_28 {offsets = [0, 512], sizes = [2304, 128], strides = [1, 1]} : vector<2304x1024xf32> to vector<2304x128xf32>
    %mul3A_71 = arith.constant 32 : i32
    %mul3A_72 = arith.muli %arg0, %mul3A_71 : i32
    %add3A_73 = arith.constant 0 : i32
    %add3A_74 = arith.addi %mul3A_72, %add3A_73 : i32
    %add3A_75 = arith.constant 4 : i32
    %add3A_76 = arith.addi %add3A_74, %add3A_75 : i32
    %lt3A_77 = arith.cmpf olt, %slice3A_70, %min3A_67 : vector<2304x128xf32>
    %min3A_78 = arith.minimumf %slice3A_70, %min3A_67 : vector<2304x128xf32>
    %broadcast_in_dim3A_79 = vector.broadcast %add3A_76 : i32 to vector<2304x128xi32>
    %select_n3A_80 = arith.select %lt3A_77, %broadcast_in_dim3A_79, %select_n3A_69 : vector<2304x128xi1>, vector<2304x128xi32>
    %slice3A_81 = vector.extract_strided_slice %add3A_28 {offsets = [0, 640], sizes = [2304, 128], strides = [1, 1]} : vector<2304x1024xf32> to vector<2304x128xf32>
    %mul3A_82 = arith.constant 32 : i32
    %mul3A_83 = arith.muli %arg0, %mul3A_82 : i32
    %add3A_84 = arith.constant 0 : i32
    %add3A_85 = arith.addi %mul3A_83, %add3A_84 : i32
    %add3A_86 = arith.constant 5 : i32
    %add3A_87 = arith.addi %add3A_85, %add3A_86 : i32
    %lt3A_88 = arith.cmpf olt, %slice3A_81, %min3A_78 : vector<2304x128xf32>
    %min3A_89 = arith.minimumf %slice3A_81, %min3A_78 : vector<2304x128xf32>
    %broadcast_in_dim3A_90 = vector.broadcast %add3A_87 : i32 to vector<2304x128xi32>
    %select_n3A_91 = arith.select %lt3A_88, %broadcast_in_dim3A_90, %select_n3A_80 : vector<2304x128xi1>, vector<2304x128xi32>
    %slice3A_92 = vector.extract_strided_slice %add3A_28 {offsets = [0, 768], sizes = [2304, 128], strides = [1, 1]} : vector<2304x1024xf32> to vector<2304x128xf32>
    %mul3A_93 = arith.constant 32 : i32
    %mul3A_94 = arith.muli %arg0, %mul3A_93 : i32
    %add3A_95 = arith.constant 0 : i32
    %add3A_96 = arith.addi %mul3A_94, %add3A_95 : i32
    %add3A_97 = arith.constant 6 : i32
    %add3A_98 = arith.addi %add3A_96, %add3A_97 : i32
    %lt3A_99 = arith.cmpf olt, %slice3A_92, %min3A_89 : vector<2304x128xf32>
    %min3A_100 = arith.minimumf %slice3A_92, %min3A_89 : vector<2304x128xf32>
    %broadcast_in_dim3A_101 = vector.broadcast %add3A_98 : i32 to vector<2304x128xi32>
    %select_n3A_102 = arith.select %lt3A_99, %broadcast_in_dim3A_101, %select_n3A_91 : vector<2304x128xi1>, vector<2304x128xi32>
    %slice3A_103 = vector.extract_strided_slice %add3A_28 {offsets = [0, 896], sizes = [2304, 128], strides = [1, 1]} : vector<2304x1024xf32> to vector<2304x128xf32>
    %mul3A_104 = arith.constant 32 : i32
    %mul3A_105 = arith.muli %arg0, %mul3A_104 : i32
    %add3A_106 = arith.constant 0 : i32
    %add3A_107 = arith.addi %mul3A_105, %add3A_106 : i32
    %add3A_108 = arith.constant 7 : i32
    %add3A_109 = arith.addi %add3A_107, %add3A_108 : i32
    %lt3A_110 = arith.cmpf olt, %slice3A_103, %min3A_100 : vector<2304x128xf32>
    %min3A_111 = arith.minimumf %slice3A_103, %min3A_100 : vector<2304x128xf32>
    %broadcast_in_dim3A_112 = vector.broadcast %add3A_109 : i32 to vector<2304x128xi32>
    %select_n3A_113 = arith.select %lt3A_110, %broadcast_in_dim3A_112, %select_n3A_102 : vector<2304x128xi1>, vector<2304x128xi32>
    %slice3A_114 = vector.extract_strided_slice %get3A_4 {offsets = [1024, 0], sizes = [1024, 256], strides = [1, 1]} : vector<4096x256xf32> to vector<1024x256xf32>
    %dot_general3A_115 = arith.constant dense<0.000000e+00> : vector<2304x1024xf32>
    %dot_general3A_116 = tpu.matmul %add3A, %slice3A_114, %dot_general3A_115 {dimension_numbers = #tpu.dot_dimension_numbers<[1], [1], [0], [0], [0, 0, 1, 0], [], []>, transpose_lhs_hint = false} : vector<2304x256xf32>, vector<1024x256xf32>, vector<2304x1024xf32> -> vector<2304x1024xf32>
    %sub3A_117 = vector.broadcast %broadcast_in_dim3A : vector<2304x1xf32> to vector<2304x1024xf32>
    %sub3A_118 = arith.subf %sub3A_117, %dot_general3A_116 : vector<2304x1024xf32>
    %slice3A_119 = vector.extract_strided_slice %broadcast_in_dim3A_10 {offsets = [0, 1024], sizes = [1, 1024], strides = [1, 1]} : vector<1x4096xf32> to vector<1x1024xf32>
    %add3A_120 = vector.broadcast %slice3A_119 : vector<1x1024xf32> to vector<2304x1024xf32>
    %add3A_121 = arith.addf %sub3A_118, %add3A_120 : vector<2304x1024xf32>
    %slice3A_122 = vector.extract_strided_slice %add3A_121 {offsets = [0, 0], sizes = [2304, 128], strides = [1, 1]} : vector<2304x1024xf32> to vector<2304x128xf32>
    %mul3A_123 = arith.constant 32 : i32
    %mul3A_124 = arith.muli %arg0, %mul3A_123 : i32
    %add3A_125 = arith.constant 8 : i32
    %add3A_126 = arith.addi %mul3A_124, %add3A_125 : i32
    %add3A_127 = arith.constant 0 : i32
    %add3A_128 = arith.addi %add3A_126, %add3A_127 : i32
    %lt3A_129 = arith.cmpf olt, %slice3A_122, %min3A_111 : vector<2304x128xf32>
    %min3A_130 = arith.minimumf %slice3A_122, %min3A_111 : vector<2304x128xf32>
    %broadcast_in_dim3A_131 = vector.broadcast %add3A_128 : i32 to vector<2304x128xi32>
    %select_n3A_132 = arith.select %lt3A_129, %broadcast_in_dim3A_131, %select_n3A_113 : vector<2304x128xi1>, vector<2304x128xi32>
    %slice3A_133 = vector.extract_strided_slice %add3A_121 {offsets = [0, 128], sizes = [2304, 128], strides = [1, 1]} : vector<2304x1024xf32> to vector<2304x128xf32>
    %mul3A_134 = arith.constant 32 : i32
    %mul3A_135 = arith.muli %arg0, %mul3A_134 : i32
    %add3A_136 = arith.constant 8 : i32
    %add3A_137 = arith.addi %mul3A_135, %add3A_136 : i32
    %add3A_138 = arith.constant 1 : i32
    %add3A_139 = arith.addi %add3A_137, %add3A_138 : i32
    %lt3A_140 = arith.cmpf olt, %slice3A_133, %min3A_130 : vector<2304x128xf32>
    %min3A_141 = arith.minimumf %slice3A_133, %min3A_130 : vector<2304x128xf32>
    %broadcast_in_dim3A_142 = vector.broadcast %add3A_139 : i32 to vector<2304x128xi32>
    %select_n3A_143 = arith.select %lt3A_140, %broadcast_in_dim3A_142, %select_n3A_132 : vector<2304x128xi1>, vector<2304x128xi32>
    %slice3A_144 = vector.extract_strided_slice %add3A_121 {offsets = [0, 256], sizes = [2304, 128], strides = [1, 1]} : vector<2304x1024xf32> to vector<2304x128xf32>
    %mul3A_145 = arith.constant 32 : i32
    %mul3A_146 = arith.muli %arg0, %mul3A_145 : i32
    %add3A_147 = arith.constant 8 : i32
    %add3A_148 = arith.addi %mul3A_146, %add3A_147 : i32
    %add3A_149 = arith.constant 2 : i32
    %add3A_150 = arith.addi %add3A_148, %add3A_149 : i32
    %lt3A_151 = arith.cmpf olt, %slice3A_144, %min3A_141 : vector<2304x128xf32>
    %min3A_152 = arith.minimumf %slice3A_144, %min3A_141 : vector<2304x128xf32>
    %broadcast_in_dim3A_153 = vector.broadcast %add3A_150 : i32 to vector<2304x128xi32>
    %select_n3A_154 = arith.select %lt3A_151, %broadcast_in_dim3A_153, %select_n3A_143 : vector<2304x128xi1>, vector<2304x128xi32>
    %slice3A_155 = vector.extract_strided_slice %add3A_121 {offsets = [0, 384], sizes = [2304, 128], strides = [1, 1]} : vector<2304x1024xf32> to vector<2304x128xf32>
    %mul3A_156 = arith.constant 32 : i32
    %mul3A_157 = arith.muli %arg0, %mul3A_156 : i32
    %add3A_158 = arith.constant 8 : i32
    %add3A_159 = arith.addi %mul3A_157, %add3A_158 : i32
    %add3A_160 = arith.constant 3 : i32
    %add3A_161 = arith.addi %add3A_159, %add3A_160 : i32
    %lt3A_162 = arith.cmpf olt, %slice3A_155, %min3A_152 : vector<2304x128xf32>
    %min3A_163 = arith.minimumf %slice3A_155, %min3A_152 : vector<2304x128xf32>
    %broadcast_in_dim3A_164 = vector.broadcast %add3A_161 : i32 to vector<2304x128xi32>
    %select_n3A_165 = arith.select %lt3A_162, %broadcast_in_dim3A_164, %select_n3A_154 : vector<2304x128xi1>, vector<2304x128xi32>
    %slice3A_166 = vector.extract_strided_slice %add3A_121 {offsets = [0, 512], sizes = [2304, 128], strides = [1, 1]} : vector<2304x1024xf32> to vector<2304x128xf32>
    %mul3A_167 = arith.constant 32 : i32
    %mul3A_168 = arith.muli %arg0, %mul3A_167 : i32
    %add3A_169 = arith.constant 8 : i32
    %add3A_170 = arith.addi %mul3A_168, %add3A_169 : i32
    %add3A_171 = arith.constant 4 : i32
    %add3A_172 = arith.addi %add3A_170, %add3A_171 : i32
    %lt3A_173 = arith.cmpf olt, %slice3A_166, %min3A_163 : vector<2304x128xf32>
    %min3A_174 = arith.minimumf %slice3A_166, %min3A_163 : vector<2304x128xf32>
    %broadcast_in_dim3A_175 = vector.broadcast %add3A_172 : i32 to vector<2304x128xi32>
    %select_n3A_176 = arith.select %lt3A_173, %broadcast_in_dim3A_175, %select_n3A_165 : vector<2304x128xi1>, vector<2304x128xi32>
    %slice3A_177 = vector.extract_strided_slice %add3A_121 {offsets = [0, 640], sizes = [2304, 128], strides = [1, 1]} : vector<2304x1024xf32> to vector<2304x128xf32>
    %mul3A_178 = arith.constant 32 : i32
    %mul3A_179 = arith.muli %arg0, %mul3A_178 : i32
    %add3A_180 = arith.constant 8 : i32
    %add3A_181 = arith.addi %mul3A_179, %add3A_180 : i32
    %add3A_182 = arith.constant 5 : i32
    %add3A_183 = arith.addi %add3A_181, %add3A_182 : i32
    %lt3A_184 = arith.cmpf olt, %slice3A_177, %min3A_174 : vector<2304x128xf32>
    %min3A_185 = arith.minimumf %slice3A_177, %min3A_174 : vector<2304x128xf32>
    %broadcast_in_dim3A_186 = vector.broadcast %add3A_183 : i32 to vector<2304x128xi32>
    %select_n3A_187 = arith.select %lt3A_184, %broadcast_in_dim3A_186, %select_n3A_176 : vector<2304x128xi1>, vector<2304x128xi32>
    %slice3A_188 = vector.extract_strided_slice %add3A_121 {offsets = [0, 768], sizes = [2304, 128], strides = [1, 1]} : vector<2304x1024xf32> to vector<2304x128xf32>
    %mul3A_189 = arith.constant 32 : i32
    %mul3A_190 = arith.muli %arg0, %mul3A_189 : i32
    %add3A_191 = arith.constant 8 : i32
    %add3A_192 = arith.addi %mul3A_190, %add3A_191 : i32
    %add3A_193 = arith.constant 6 : i32
    %add3A_194 = arith.addi %add3A_192, %add3A_193 : i32
    %lt3A_195 = arith.cmpf olt, %slice3A_188, %min3A_185 : vector<2304x128xf32>
    %min3A_196 = arith.minimumf %slice3A_188, %min3A_185 : vector<2304x128xf32>
    %broadcast_in_dim3A_197 = vector.broadcast %add3A_194 : i32 to vector<2304x128xi32>
    %select_n3A_198 = arith.select %lt3A_195, %broadcast_in_dim3A_197, %select_n3A_187 : vector<2304x128xi1>, vector<2304x128xi32>
    %slice3A_199 = vector.extract_strided_slice %add3A_121 {offsets = [0, 896], sizes = [2304, 128], strides = [1, 1]} : vector<2304x1024xf32> to vector<2304x128xf32>
    %mul3A_200 = arith.constant 32 : i32
    %mul3A_201 = arith.muli %arg0, %mul3A_200 : i32
    %add3A_202 = arith.constant 8 : i32
    %add3A_203 = arith.addi %mul3A_201, %add3A_202 : i32
    %add3A_204 = arith.constant 7 : i32
    %add3A_205 = arith.addi %add3A_203, %add3A_204 : i32
    %lt3A_206 = arith.cmpf olt, %slice3A_199, %min3A_196 : vector<2304x128xf32>
    %min3A_207 = arith.minimumf %slice3A_199, %min3A_196 : vector<2304x128xf32>
    %broadcast_in_dim3A_208 = vector.broadcast %add3A_205 : i32 to vector<2304x128xi32>
    %select_n3A_209 = arith.select %lt3A_206, %broadcast_in_dim3A_208, %select_n3A_198 : vector<2304x128xi1>, vector<2304x128xi32>
    %slice3A_210 = vector.extract_strided_slice %get3A_4 {offsets = [2048, 0], sizes = [1024, 256], strides = [1, 1]} : vector<4096x256xf32> to vector<1024x256xf32>
    %dot_general3A_211 = arith.constant dense<0.000000e+00> : vector<2304x1024xf32>
    %dot_general3A_212 = tpu.matmul %add3A, %slice3A_210, %dot_general3A_211 {dimension_numbers = #tpu.dot_dimension_numbers<[1], [1], [0], [0], [0, 0, 1, 0], [], []>, transpose_lhs_hint = false} : vector<2304x256xf32>, vector<1024x256xf32>, vector<2304x1024xf32> -> vector<2304x1024xf32>
    %sub3A_213 = vector.broadcast %broadcast_in_dim3A : vector<2304x1xf32> to vector<2304x1024xf32>
    %sub3A_214 = arith.subf %sub3A_213, %dot_general3A_212 : vector<2304x1024xf32>
    %slice3A_215 = vector.extract_strided_slice %broadcast_in_dim3A_10 {offsets = [0, 2048], sizes = [1, 1024], strides = [1, 1]} : vector<1x4096xf32> to vector<1x1024xf32>
    %add3A_216 = vector.broadcast %slice3A_215 : vector<1x1024xf32> to vector<2304x1024xf32>
    %add3A_217 = arith.addf %sub3A_214, %add3A_216 : vector<2304x1024xf32>
    %slice3A_218 = vector.extract_strided_slice %add3A_217 {offsets = [0, 0], sizes = [2304, 128], strides = [1, 1]} : vector<2304x1024xf32> to vector<2304x128xf32>
    %mul3A_219 = arith.constant 32 : i32
    %mul3A_220 = arith.muli %arg0, %mul3A_219 : i32
    %add3A_221 = arith.constant 16 : i32
    %add3A_222 = arith.addi %mul3A_220, %add3A_221 : i32
    %add3A_223 = arith.constant 0 : i32
    %add3A_224 = arith.addi %add3A_222, %add3A_223 : i32
    %lt3A_225 = arith.cmpf olt, %slice3A_218, %min3A_207 : vector<2304x128xf32>
    %min3A_226 = arith.minimumf %slice3A_218, %min3A_207 : vector<2304x128xf32>
    %broadcast_in_dim3A_227 = vector.broadcast %add3A_224 : i32 to vector<2304x128xi32>
    %select_n3A_228 = arith.select %lt3A_225, %broadcast_in_dim3A_227, %select_n3A_209 : vector<2304x128xi1>, vector<2304x128xi32>
    %slice3A_229 = vector.extract_strided_slice %add3A_217 {offsets = [0, 128], sizes = [2304, 128], strides = [1, 1]} : vector<2304x1024xf32> to vector<2304x128xf32>
    %mul3A_230 = arith.constant 32 : i32
    %mul3A_231 = arith.muli %arg0, %mul3A_230 : i32
    %add3A_232 = arith.constant 16 : i32
    %add3A_233 = arith.addi %mul3A_231, %add3A_232 : i32
    %add3A_234 = arith.constant 1 : i32
    %add3A_235 = arith.addi %add3A_233, %add3A_234 : i32
    %lt3A_236 = arith.cmpf olt, %slice3A_229, %min3A_226 : vector<2304x128xf32>
    %min3A_237 = arith.minimumf %slice3A_229, %min3A_226 : vector<2304x128xf32>
    %broadcast_in_dim3A_238 = vector.broadcast %add3A_235 : i32 to vector<2304x128xi32>
    %select_n3A_239 = arith.select %lt3A_236, %broadcast_in_dim3A_238, %select_n3A_228 : vector<2304x128xi1>, vector<2304x128xi32>
    %slice3A_240 = vector.extract_strided_slice %add3A_217 {offsets = [0, 256], sizes = [2304, 128], strides = [1, 1]} : vector<2304x1024xf32> to vector<2304x128xf32>
    %mul3A_241 = arith.constant 32 : i32
    %mul3A_242 = arith.muli %arg0, %mul3A_241 : i32
    %add3A_243 = arith.constant 16 : i32
    %add3A_244 = arith.addi %mul3A_242, %add3A_243 : i32
    %add3A_245 = arith.constant 2 : i32
    %add3A_246 = arith.addi %add3A_244, %add3A_245 : i32
    %lt3A_247 = arith.cmpf olt, %slice3A_240, %min3A_237 : vector<2304x128xf32>
    %min3A_248 = arith.minimumf %slice3A_240, %min3A_237 : vector<2304x128xf32>
    %broadcast_in_dim3A_249 = vector.broadcast %add3A_246 : i32 to vector<2304x128xi32>
    %select_n3A_250 = arith.select %lt3A_247, %broadcast_in_dim3A_249, %select_n3A_239 : vector<2304x128xi1>, vector<2304x128xi32>
    %slice3A_251 = vector.extract_strided_slice %add3A_217 {offsets = [0, 384], sizes = [2304, 128], strides = [1, 1]} : vector<2304x1024xf32> to vector<2304x128xf32>
    %mul3A_252 = arith.constant 32 : i32
    %mul3A_253 = arith.muli %arg0, %mul3A_252 : i32
    %add3A_254 = arith.constant 16 : i32
    %add3A_255 = arith.addi %mul3A_253, %add3A_254 : i32
    %add3A_256 = arith.constant 3 : i32
    %add3A_257 = arith.addi %add3A_255, %add3A_256 : i32
    %lt3A_258 = arith.cmpf olt, %slice3A_251, %min3A_248 : vector<2304x128xf32>
    %min3A_259 = arith.minimumf %slice3A_251, %min3A_248 : vector<2304x128xf32>
    %broadcast_in_dim3A_260 = vector.broadcast %add3A_257 : i32 to vector<2304x128xi32>
    %select_n3A_261 = arith.select %lt3A_258, %broadcast_in_dim3A_260, %select_n3A_250 : vector<2304x128xi1>, vector<2304x128xi32>
    %slice3A_262 = vector.extract_strided_slice %add3A_217 {offsets = [0, 512], sizes = [2304, 128], strides = [1, 1]} : vector<2304x1024xf32> to vector<2304x128xf32>
    %mul3A_263 = arith.constant 32 : i32
    %mul3A_264 = arith.muli %arg0, %mul3A_263 : i32
    %add3A_265 = arith.constant 16 : i32
    %add3A_266 = arith.addi %mul3A_264, %add3A_265 : i32
    %add3A_267 = arith.constant 4 : i32
    %add3A_268 = arith.addi %add3A_266, %add3A_267 : i32
    %lt3A_269 = arith.cmpf olt, %slice3A_262, %min3A_259 : vector<2304x128xf32>
    %min3A_270 = arith.minimumf %slice3A_262, %min3A_259 : vector<2304x128xf32>
    %broadcast_in_dim3A_271 = vector.broadcast %add3A_268 : i32 to vector<2304x128xi32>
    %select_n3A_272 = arith.select %lt3A_269, %broadcast_in_dim3A_271, %select_n3A_261 : vector<2304x128xi1>, vector<2304x128xi32>
    %slice3A_273 = vector.extract_strided_slice %add3A_217 {offsets = [0, 640], sizes = [2304, 128], strides = [1, 1]} : vector<2304x1024xf32> to vector<2304x128xf32>
    %mul3A_274 = arith.constant 32 : i32
    %mul3A_275 = arith.muli %arg0, %mul3A_274 : i32
    %add3A_276 = arith.constant 16 : i32
    %add3A_277 = arith.addi %mul3A_275, %add3A_276 : i32
    %add3A_278 = arith.constant 5 : i32
    %add3A_279 = arith.addi %add3A_277, %add3A_278 : i32
    %lt3A_280 = arith.cmpf olt, %slice3A_273, %min3A_270 : vector<2304x128xf32>
    %min3A_281 = arith.minimumf %slice3A_273, %min3A_270 : vector<2304x128xf32>
    %broadcast_in_dim3A_282 = vector.broadcast %add3A_279 : i32 to vector<2304x128xi32>
    %select_n3A_283 = arith.select %lt3A_280, %broadcast_in_dim3A_282, %select_n3A_272 : vector<2304x128xi1>, vector<2304x128xi32>
    %slice3A_284 = vector.extract_strided_slice %add3A_217 {offsets = [0, 768], sizes = [2304, 128], strides = [1, 1]} : vector<2304x1024xf32> to vector<2304x128xf32>
    %mul3A_285 = arith.constant 32 : i32
    %mul3A_286 = arith.muli %arg0, %mul3A_285 : i32
    %add3A_287 = arith.constant 16 : i32
    %add3A_288 = arith.addi %mul3A_286, %add3A_287 : i32
    %add3A_289 = arith.constant 6 : i32
    %add3A_290 = arith.addi %add3A_288, %add3A_289 : i32
    %lt3A_291 = arith.cmpf olt, %slice3A_284, %min3A_281 : vector<2304x128xf32>
    %min3A_292 = arith.minimumf %slice3A_284, %min3A_281 : vector<2304x128xf32>
    %broadcast_in_dim3A_293 = vector.broadcast %add3A_290 : i32 to vector<2304x128xi32>
    %select_n3A_294 = arith.select %lt3A_291, %broadcast_in_dim3A_293, %select_n3A_283 : vector<2304x128xi1>, vector<2304x128xi32>
    %slice3A_295 = vector.extract_strided_slice %add3A_217 {offsets = [0, 896], sizes = [2304, 128], strides = [1, 1]} : vector<2304x1024xf32> to vector<2304x128xf32>
    %mul3A_296 = arith.constant 32 : i32
    %mul3A_297 = arith.muli %arg0, %mul3A_296 : i32
    %add3A_298 = arith.constant 16 : i32
    %add3A_299 = arith.addi %mul3A_297, %add3A_298 : i32
    %add3A_300 = arith.constant 7 : i32
    %add3A_301 = arith.addi %add3A_299, %add3A_300 : i32
    %lt3A_302 = arith.cmpf olt, %slice3A_295, %min3A_292 : vector<2304x128xf32>
    %min3A_303 = arith.minimumf %slice3A_295, %min3A_292 : vector<2304x128xf32>
    %broadcast_in_dim3A_304 = vector.broadcast %add3A_301 : i32 to vector<2304x128xi32>
    %select_n3A_305 = arith.select %lt3A_302, %broadcast_in_dim3A_304, %select_n3A_294 : vector<2304x128xi1>, vector<2304x128xi32>
    %slice3A_306 = vector.extract_strided_slice %get3A_4 {offsets = [3072, 0], sizes = [1024, 256], strides = [1, 1]} : vector<4096x256xf32> to vector<1024x256xf32>
    %dot_general3A_307 = arith.constant dense<0.000000e+00> : vector<2304x1024xf32>
    %dot_general3A_308 = tpu.matmul %add3A, %slice3A_306, %dot_general3A_307 {dimension_numbers = #tpu.dot_dimension_numbers<[1], [1], [0], [0], [0, 0, 1, 0], [], []>, transpose_lhs_hint = false} : vector<2304x256xf32>, vector<1024x256xf32>, vector<2304x1024xf32> -> vector<2304x1024xf32>
    %sub3A_309 = vector.broadcast %broadcast_in_dim3A : vector<2304x1xf32> to vector<2304x1024xf32>
    %sub3A_310 = arith.subf %sub3A_309, %dot_general3A_308 : vector<2304x1024xf32>
    %slice3A_311 = vector.extract_strided_slice %broadcast_in_dim3A_10 {offsets = [0, 3072], sizes = [1, 1024], strides = [1, 1]} : vector<1x4096xf32> to vector<1x1024xf32>
    %add3A_312 = vector.broadcast %slice3A_311 : vector<1x1024xf32> to vector<2304x1024xf32>
    %add3A_313 = arith.addf %sub3A_310, %add3A_312 : vector<2304x1024xf32>
    %slice3A_314 = vector.extract_strided_slice %add3A_313 {offsets = [0, 0], sizes = [2304, 128], strides = [1, 1]} : vector<2304x1024xf32> to vector<2304x128xf32>
    %mul3A_315 = arith.constant 32 : i32
    %mul3A_316 = arith.muli %arg0, %mul3A_315 : i32
    %add3A_317 = arith.constant 24 : i32
    %add3A_318 = arith.addi %mul3A_316, %add3A_317 : i32
    %add3A_319 = arith.constant 0 : i32
    %add3A_320 = arith.addi %add3A_318, %add3A_319 : i32
    %lt3A_321 = arith.cmpf olt, %slice3A_314, %min3A_303 : vector<2304x128xf32>
    %min3A_322 = arith.minimumf %slice3A_314, %min3A_303 : vector<2304x128xf32>
    %broadcast_in_dim3A_323 = vector.broadcast %add3A_320 : i32 to vector<2304x128xi32>
    %select_n3A_324 = arith.select %lt3A_321, %broadcast_in_dim3A_323, %select_n3A_305 : vector<2304x128xi1>, vector<2304x128xi32>
    %slice3A_325 = vector.extract_strided_slice %add3A_313 {offsets = [0, 128], sizes = [2304, 128], strides = [1, 1]} : vector<2304x1024xf32> to vector<2304x128xf32>
    %mul3A_326 = arith.constant 32 : i32
    %mul3A_327 = arith.muli %arg0, %mul3A_326 : i32
    %add3A_328 = arith.constant 24 : i32
    %add3A_329 = arith.addi %mul3A_327, %add3A_328 : i32
    %add3A_330 = arith.constant 1 : i32
    %add3A_331 = arith.addi %add3A_329, %add3A_330 : i32
    %lt3A_332 = arith.cmpf olt, %slice3A_325, %min3A_322 : vector<2304x128xf32>
    %min3A_333 = arith.minimumf %slice3A_325, %min3A_322 : vector<2304x128xf32>
    %broadcast_in_dim3A_334 = vector.broadcast %add3A_331 : i32 to vector<2304x128xi32>
    %select_n3A_335 = arith.select %lt3A_332, %broadcast_in_dim3A_334, %select_n3A_324 : vector<2304x128xi1>, vector<2304x128xi32>
    %slice3A_336 = vector.extract_strided_slice %add3A_313 {offsets = [0, 256], sizes = [2304, 128], strides = [1, 1]} : vector<2304x1024xf32> to vector<2304x128xf32>
    %mul3A_337 = arith.constant 32 : i32
    %mul3A_338 = arith.muli %arg0, %mul3A_337 : i32
    %add3A_339 = arith.constant 24 : i32
    %add3A_340 = arith.addi %mul3A_338, %add3A_339 : i32
    %add3A_341 = arith.constant 2 : i32
    %add3A_342 = arith.addi %add3A_340, %add3A_341 : i32
    %lt3A_343 = arith.cmpf olt, %slice3A_336, %min3A_333 : vector<2304x128xf32>
    %min3A_344 = arith.minimumf %slice3A_336, %min3A_333 : vector<2304x128xf32>
    %broadcast_in_dim3A_345 = vector.broadcast %add3A_342 : i32 to vector<2304x128xi32>
    %select_n3A_346 = arith.select %lt3A_343, %broadcast_in_dim3A_345, %select_n3A_335 : vector<2304x128xi1>, vector<2304x128xi32>
    %slice3A_347 = vector.extract_strided_slice %add3A_313 {offsets = [0, 384], sizes = [2304, 128], strides = [1, 1]} : vector<2304x1024xf32> to vector<2304x128xf32>
    %mul3A_348 = arith.constant 32 : i32
    %mul3A_349 = arith.muli %arg0, %mul3A_348 : i32
    %add3A_350 = arith.constant 24 : i32
    %add3A_351 = arith.addi %mul3A_349, %add3A_350 : i32
    %add3A_352 = arith.constant 3 : i32
    %add3A_353 = arith.addi %add3A_351, %add3A_352 : i32
    %lt3A_354 = arith.cmpf olt, %slice3A_347, %min3A_344 : vector<2304x128xf32>
    %min3A_355 = arith.minimumf %slice3A_347, %min3A_344 : vector<2304x128xf32>
    %broadcast_in_dim3A_356 = vector.broadcast %add3A_353 : i32 to vector<2304x128xi32>
    %select_n3A_357 = arith.select %lt3A_354, %broadcast_in_dim3A_356, %select_n3A_346 : vector<2304x128xi1>, vector<2304x128xi32>
    %slice3A_358 = vector.extract_strided_slice %add3A_313 {offsets = [0, 512], sizes = [2304, 128], strides = [1, 1]} : vector<2304x1024xf32> to vector<2304x128xf32>
    %mul3A_359 = arith.constant 32 : i32
    %mul3A_360 = arith.muli %arg0, %mul3A_359 : i32
    %add3A_361 = arith.constant 24 : i32
    %add3A_362 = arith.addi %mul3A_360, %add3A_361 : i32
    %add3A_363 = arith.constant 4 : i32
    %add3A_364 = arith.addi %add3A_362, %add3A_363 : i32
    %lt3A_365 = arith.cmpf olt, %slice3A_358, %min3A_355 : vector<2304x128xf32>
    %min3A_366 = arith.minimumf %slice3A_358, %min3A_355 : vector<2304x128xf32>
    %broadcast_in_dim3A_367 = vector.broadcast %add3A_364 : i32 to vector<2304x128xi32>
    %select_n3A_368 = arith.select %lt3A_365, %broadcast_in_dim3A_367, %select_n3A_357 : vector<2304x128xi1>, vector<2304x128xi32>
    %slice3A_369 = vector.extract_strided_slice %add3A_313 {offsets = [0, 640], sizes = [2304, 128], strides = [1, 1]} : vector<2304x1024xf32> to vector<2304x128xf32>
    %mul3A_370 = arith.constant 32 : i32
    %mul3A_371 = arith.muli %arg0, %mul3A_370 : i32
    %add3A_372 = arith.constant 24 : i32
    %add3A_373 = arith.addi %mul3A_371, %add3A_372 : i32
    %add3A_374 = arith.constant 5 : i32
    %add3A_375 = arith.addi %add3A_373, %add3A_374 : i32
    %lt3A_376 = arith.cmpf olt, %slice3A_369, %min3A_366 : vector<2304x128xf32>
    %min3A_377 = arith.minimumf %slice3A_369, %min3A_366 : vector<2304x128xf32>
    %broadcast_in_dim3A_378 = vector.broadcast %add3A_375 : i32 to vector<2304x128xi32>
    %select_n3A_379 = arith.select %lt3A_376, %broadcast_in_dim3A_378, %select_n3A_368 : vector<2304x128xi1>, vector<2304x128xi32>
    %slice3A_380 = vector.extract_strided_slice %add3A_313 {offsets = [0, 768], sizes = [2304, 128], strides = [1, 1]} : vector<2304x1024xf32> to vector<2304x128xf32>
    %mul3A_381 = arith.constant 32 : i32
    %mul3A_382 = arith.muli %arg0, %mul3A_381 : i32
    %add3A_383 = arith.constant 24 : i32
    %add3A_384 = arith.addi %mul3A_382, %add3A_383 : i32
    %add3A_385 = arith.constant 6 : i32
    %add3A_386 = arith.addi %add3A_384, %add3A_385 : i32
    %lt3A_387 = arith.cmpf olt, %slice3A_380, %min3A_377 : vector<2304x128xf32>
    %min3A_388 = arith.minimumf %slice3A_380, %min3A_377 : vector<2304x128xf32>
    %broadcast_in_dim3A_389 = vector.broadcast %add3A_386 : i32 to vector<2304x128xi32>
    %select_n3A_390 = arith.select %lt3A_387, %broadcast_in_dim3A_389, %select_n3A_379 : vector<2304x128xi1>, vector<2304x128xi32>
    %slice3A_391 = vector.extract_strided_slice %add3A_313 {offsets = [0, 896], sizes = [2304, 128], strides = [1, 1]} : vector<2304x1024xf32> to vector<2304x128xf32>
    %mul3A_392 = arith.constant 32 : i32
    %mul3A_393 = arith.muli %arg0, %mul3A_392 : i32
    %add3A_394 = arith.constant 24 : i32
    %add3A_395 = arith.addi %mul3A_393, %add3A_394 : i32
    %add3A_396 = arith.constant 7 : i32
    %add3A_397 = arith.addi %add3A_395, %add3A_396 : i32
    %lt3A_398 = arith.cmpf olt, %slice3A_391, %min3A_388 : vector<2304x128xf32>
    %min3A_399 = arith.minimumf %slice3A_391, %min3A_388 : vector<2304x128xf32>
    %broadcast_in_dim3A_400 = vector.broadcast %add3A_397 : i32 to vector<2304x128xi32>
    %select_n3A_401 = arith.select %lt3A_398, %broadcast_in_dim3A_400, %select_n3A_390 : vector<2304x128xi1>, vector<2304x128xi32>
    %swap3A = arith.index_cast %mul3A_12 : i32 to index
    %swap3A_402 = arith.constant 0 : index
    %swap3A_403 = vector.load %arg5[%swap3A, %swap3A_402] : memref<2304x128xf32, #tpu.memory_space<vmem>>, vector<2304x128xf32>
    tpu.vector_store %arg5[%swap3A, %swap3A_402], %min3A_399 {strides = array<i32>} : memref<2304x128xf32, #tpu.memory_space<vmem>>, vector<2304x128xf32>,
    %swap3A_404 = arith.index_cast %mul3A_12 : i32 to index
    %swap3A_405 = arith.constant 0 : index
    %swap3A_406 = vector.load %arg6[%swap3A_404, %swap3A_405] : memref<2304x128xi32, #tpu.memory_space<vmem>>, vector<2304x128xi32>
    tpu.vector_store %arg6[%swap3A_404, %swap3A_405], %select_n3A_401 {strides = array<i32>} : memref<2304x128xi32, #tpu.memory_space<vmem>>, vector<2304x128xi32>,
    %eq3A_407 = arith.constant 1 : i32
    %eq3A_408 = arith.cmpi eq, %arg0, %eq3A_407 : i32
    %convert_element_type3A_409 = arith.extui %eq3A_408 : i1 to i32
    %cond3A_410 = arith.constant 0 : i32
    %cond3A_411 = arith.cmpi ne, %convert_element_type3A_409, %cond3A_410 : i32
    scf.if %cond3A_411 {
      %iota3A = tpu.iota {dimensions = array<i32: 1>} : vector<2304x128xi32>
      %mul3A_412 = arith.constant 128 : i32
      %mul3A_413 = vector.broadcast %mul3A_412 : i32 to vector<2304x128xi32>
      %mul3A_414 = arith.muli %select_n3A_401, %mul3A_413 : vector<2304x128xi32>
      %add3A_415 = arith.addi %mul3A_414, %iota3A : vector<2304x128xi32>
      %reduce_min3A = arith.constant dense<0x7F800000> : vector<2304xf32>
      %reduce_min3A_416 = vector.multi_reduction <minimumf>, %min3A_399, %reduce_min3A [1] : vector<2304x128xf32> to vector<2304xf32>
      %broadcast_in_dim3A_417 = vector.shape_cast %reduce_min3A_416 : vector<2304xf32> to vector<2304x1xf32>
      %eq3A_418 = vector.broadcast %broadcast_in_dim3A_417 : vector<2304x1xf32> to vector<2304x128xf32>
      %eq3A_419 = arith.cmpf oeq, %min3A_399, %eq3A_418 : vector<2304x128xf32>
      %jit3A = arith.constant 1073741824 : i32
      %broadcast_in_dim3A_420 = vector.broadcast %jit3A : i32 to vector<2304x128xi32>
      %select_n3A_421 = arith.select %eq3A_419, %add3A_415, %broadcast_in_dim3A_420 : vector<2304x128xi1>, vector<2304x128xi32>
      %reduce_min3A_422 = arith.constant dense<2147483647> : vector<2304xi32>
      %reduce_min3A_423 = vector.multi_reduction <minsi>, %select_n3A_421, %reduce_min3A_422 [1] : vector<2304x128xi32> to vector<2304xi32>
      %swap3A_424 = arith.index_cast %mul3A_12 : i32 to index
      %swap3A_425 = vector.load %arg4[%swap3A_424] : memref<2304xi32, #tpu.memory_space<vmem>>, vector<2304xi32>
      tpu.vector_store %arg4[%swap3A_424], %reduce_min3A_423 {strides = array<i32>} : memref<2304xi32, #tpu.memory_space<vmem>>, vector<2304xi32>,
    } else {
    }
    return
  }
  func.func @transform_0(%arg0: i32, %arg1: i32) -> (i32, i32) {
    %add3A = arith.constant 1 : i32
    %add3A_0 = arith.addi %add3A, %arg1 : i32
    %c0_i32 = arith.constant 0 : i32
    %c0_i32_1 = arith.constant 0 : i32
    return %add3A_0, %c0_i32 : i32, i32
  }
  func.func @transform_1(%arg0: i32, %arg1: i32) -> (i32, i32) {
    %c0_i32 = arith.constant 0 : i32
    %c0_i32_0 = arith.constant 0 : i32
    return %arg0, %c0_i32 : i32, i32
  }
  func.func @transform_2(%arg0: i32, %arg1: i32) -> i32 {
    %c0_i32 = arith.constant 0 : i32
    %c0_i32_0 = arith.constant 0 : i32
    return %c0_i32 : i32
  }
}

</mosaic_0001>

<sc_bundles>
// kernel: kernel.6.cloned.1.call-start
scs
__scs_entry_jumppad:
0x0: {  	(pc) =	sbr.rel $0x88, $3  }
0x1: {  	(tag) =	ssettag $0x0;
	lr =	simm.s32 $0x1  }
0x2: {  	[smem:$0x3F9F] =	sst lr;
	_ =	strace $0xD0000000  }
0x3: {  	_ = 	snop  }
0x4: {  	_ = 	snop  }
0x5: {  	_ = 	snop  }
0x6: {  	_ = 	snop  }
0x7: {  	_ = 	snop  }
__scs_overlays_trampoline_lowered:
0x8: {  	[smem:$0x3FAE] =	sst s0  }
0x9: {  	[smem:$0x3FAF] =	sst s1  }
0xa: {  	[smem:$0x3FB0] =	sst s2  }
0xb: {  	[smem:$0x3FB1] =	sst s3  }
0xc: {  	[smem:$0x3FB2] =	sst s4  }
0xd: {  	[smem:$0x3FB3] =	sst s5  }
0xe: {  	[smem:$0x3FB4] =	sst s6  }
0xf: {  	[smem:$0x3FB5] =	sst s7  }
0x10: {  	[smem:$0x3FB6] =	sst s8  }
0x11: {  	[smem:$0x3FB7] =	sst s9;
	s0 =	simm.s32 @!p0 $0x0  }
0x12: {  	s1 =	sld [smem:$0x3F9D];
	s0 =	simm.s32 @p0 $0x1  }
0x13: {  	[smem:$0x3FB8] =	sst s0;
	s0 =	simm.s32 @!p1 $0x0  }
0x14: {  	s2 =	sld [smem:$0x3F9C];
	s0 =	simm.s32 @p1 $0x1  }
0x15: {  	[smem:$0x3FB9] =	sst s0;
	s0 =	simm.s32 @!p2 $0x0  }
0x16: {  	s3 =	sld [smem:$0x3FDB];
	s0 =	simm.s32 @p2 $0x1  }
0x17: {  	s4 =	simm.s32 $0x1BF5;
	[smem:$0x3FBB] =	sst s0  }
0x18: {  	s0 =	sld [smem:$0x3F9E];
	_ =	swait.ge [sflag:s4], $0x0  }
0x19: {  	s7 =	sld [smem:$0x3F9F]  }
0x1a: {  	s8 =	sadd.s32 $0xFFFFE003, lr  }
0x1b: {  	s9 =	sadd.s32 $0xFFFFFEF7, lr;
	s5 =	simm.s32 $0xFFFFFFFF;
	p2 =	slt.u32 s8, $0xFFFFF086  }
0x1c: {  	p1 =	slt.u32 s9, $0xF7A;
	s5 =	simm.s32 @!p2 $0x0  }
0x1d: {  	s5 =	simm.s32 @p1 $0x1;
	p0 =	seq.s32 s7, s2  }
0x1e: {  	s7 =	smul.u32 @!p0 $0xF7A, s2;
	p2 =	seq.s32 @!p0 s5, $0x0  }
0x1f: {  	s9 =	smul.u32 $0xF7A, s1;
	s8 =	simm.s32 @!p0 $0x1BF5;
	p2 =	por !p2, p0  }
0x20: {  	[sflag:s8] =	ssyncset.s32 @!p0 $0xFFFFF086;
	s6 =	sadd.s32 @!p0 s3, s7;
	s7 =	simm.s32 @!p0 $0x108  }
0x21: {  	s3 =	sadd.s32 s3, s9;
	s6 =	sadd.s32 @!p0 $0x88, s6;
	s7 =	simm.s32 @p2 $0x1082  }
0x22: {  	[simem:s7], [sflag:s8] =	dma.local @!p0 [hbm:s6], $0xF7A  }
0x23: {  	s9 =	sor.u32 $0xD0000000, s2;
	s6 =	simm.s32 $0x108;
	_ =	swait.ge @!p0 [sflag:s8], $0x0  }
0x24: {  	s3 =	sadd.s32 $0x88, s3;
	s6 =	simm.s32 @!p1 $0x1082;
	[sflag:s4] =	ssyncset.s32 $0xFFFFF086  }
0x25: {  	[simem:s6], [sflag:s4] =	dma.local [hbm:s3], $0xF7A  }
0x26: {  	[smem:$0x3F9F] =	sst s1;
	(tag) =	ssettag s2;
	_ =	strace s9  }
0x27: {  	s1 =	sld [smem:$0x3FAF]  }
0x28: {  	s2 =	sld [smem:$0x3FB0]  }
0x29: {  	s4 =	sld [smem:$0x3FB2]  }
0x2a: {  	p0 =	seq.s32 s5, $0x0;
	s5 =	sld [smem:$0x3FB3]  }
0x2b: {  	s6 =	sld [smem:$0x3FB4]  }
0x2c: {  	s7 =	sld [smem:$0x3FB5]  }
0x2d: {  	s3 =	simm.s32 $0x108;
	s8 =	sld [smem:$0x3FB6]  }
0x2e: {  	s3 =	simm.s32 @!p0 $0x1082;
	s9 =	sld [smem:$0x3FB7]  }
0x2f: {  	lr =	sadd.s32 s0, s3;
	s0 =	sld [smem:$0x3FAE]  }
0x30: {  	s3 =	sld [smem:$0x3FB1]  }
0x31: {  	[smem:$0x3FBA] =	sst s10  }
0x32: {  	s10 =	sld [smem:$0x3FB8];
	_ =	sdelay $0x3  }
0x33: {  	p0 =	seq.s32 s10, $0x1;
	s10 =	sld [smem:$0x3FBA];
	_ =	sdelay $0x3  }
0x34: {  	[smem:$0x3FBA] =	sst s10  }
0x35: {  	s10 =	sld [smem:$0x3FB9];
	_ =	sdelay $0x3  }
0x36: {  	p1 =	seq.s32 s10, $0x1;
	s10 =	sld [smem:$0x3FBA];
	_ =	sdelay $0x3  }
0x37: {  	[smem:$0x3FBA] =	sst s10  }
0x38: {  	s10 =	sld [smem:$0x3FBB]  }
0x39: {  	_ = 	snop;
	(pc) =	sbr.ind lr, $3  }
0x3a: {  	_ = 	snop  }
0x3b: {  	_ = 	snop  }
0x3c: {  	p2 =	seq.s32 s10, $0x1;
	s10 =	sld [smem:$0x3FBA]  }
0x3d: {  	_ =	shalt  }
0x3e: {  	_ =	shalt  }
0x3f: {  	_ =	shalt  }
0x40: {  	_ =	shalt  }
0x41: {  	_ =	shalt  }
0x42: {  	_ =	shalt  }
0x43: {  	_ =	shalt  }
0x44: {  	_ =	shalt  }
0x45: {  	_ =	shalt  }
0x46: {  	_ =	shalt  }
0x47: {  	_ =	shalt  }
0x48: {  	_ =	shalt  }
0x49: {  	_ =	shalt  }
0x4a: {  	_ =	shalt  }
0x4b: {  	_ =	shalt  }
0x4c: {  	_ =	shalt  }
0x4d: {  	_ =	shalt  }
0x4e: {  	_ =	shalt  }
0x4f: {  	_ =	shalt  }
0x50: {  	_ =	shalt  }
0x51: {  	_ =	shalt  }
0x52: {  	_ =	shalt  }
0x53: {  	_ =	shalt  }
0x54: {  	_ =	shalt  }
0x55: {  	_ =	shalt  }
0x56: {  	_ =	shalt  }
0x57: {  	_ =	shalt  }
0x58: {  	_ =	shalt  }
0x59: {  	_ =	shalt  }
0x5a: {  	_ =	shalt  }
0x5b: {  	_ =	shalt  }
0x5c: {  	_ =	shalt  }
0x5d: {  	_ =	shalt  }
0x5e: {  	_ =	shalt  }
0x5f: {  	_ =	shalt  }
0x60: {  	_ =	shalt  }
0x61: {  	_ =	shalt  }
0x62: {  	_ =	shalt  }
0x63: {  	_ =	shalt  }
0x64: {  	_ =	shalt  }
0x65: {  	_ =	shalt  }
0x66: {  	_ =	shalt  }
0x67: {  	_ =	shalt  }
0x68: {  	_ =	shalt  }
0x69: {  	_ =	shalt  }
0x6a: {  	_ =	shalt  }
0x6b: {  	_ =	shalt  }
0x6c: {  	_ =	shalt  }
0x6d: {  	_ =	shalt  }
0x6e: {  	_ =	shalt  }
0x6f: {  	_ =	shalt  }
0x70: {  	_ =	shalt  }
0x71: {  	_ =	shalt  }
0x72: {  	_ =	shalt  }
0x73: {  	_ =	shalt  }
0x74: {  	_ =	shalt  }
0x75: {  	_ =	shalt  }
0x76: {  	_ =	shalt  }
0x77: {  	_ =	shalt  }
0x78: {  	_ =	shalt  }
0x79: {  	_ =	shalt  }
0x7a: {  	_ =	shalt  }
0x7b: {  	_ =	shalt  }
0x7c: {  	_ =	shalt  }
0x7d: {  	_ =	shalt  }
0x7e: {  	_ =	shalt  }
0x7f: {  	_ =	shalt  }
0x80: {  	_ =	shalt  }
0x81: {  	_ =	shalt  }
0x82: {  	_ =	shalt  }
0x83: {  	_ =	shalt  }
0x84: {  	_ =	shalt  }
0x85: {  	_ =	shalt  }
0x86: {  	_ =	shalt  }
0x87: {  	_ =	shalt  }
.Lfunc_end0:
.L_simem_size_0:
called_computation_lowered:
.L_overlay_start_0:
0x88: {  	s2 =	sld [smem:$0x3FD9]  }
0x89: {  	s3 =	sld [smem:$0x3FFE];
	_ =	sdelay $0x1  }
0x8a: {  	s1 =	srdreg.scid  }
0x8b: {  	s0 =	sand.u32 $0x1, s1  }
0x8c: {  	s17 =	sshll.u32 s0, $0xA;
	s2 =	sadd.s32 s3, s2  }
0x8d: {  	s2 =	sadd.s32 s2, s17  }
0x8e: {  	[smem:$0x3FC6] =	sst s2  }
0x8f: {  	_ = 	snop  }
0x90: {  	s2 =	sld [smem:$0x3FC8];
	(tm) =	ssettm $0x1  }
0x91: {  	s18 =	sld [smem:$0x3FFB];
	_ =	sdelay $0x3  }
0x92: {  	_ =	strace s18  }
0x93: {  	s3 =	sld [smem:$0x3FFC];
	_ =	sdelay $0x3  }
0x94: {  	_ =	strace s3  }
0x95: {  	s3 =	sld [smem:$0x3FFD];
	_ =	sdelay $0x3  }
0x96: {  	_ =	strace s3  }
0x97: {  	_ =	strace $0x8FFFFFFF  }
0x98: {  	s19 =	sld [smem:$0x3FDB];
	_ =	sdelay $0x1  }
0x99: {  	s4 =	simm.s32 $_scs_section_size  }
0x9a: {  	s5 =	simm.s32 $_size__tile_overlayer_lowered;
	s6 =	simm.s32 $_tile_overlayer_lowered  }
0x9b: {  	s22 =	simm.s32 $0x1BFF;
	s21 =	sshll.u32 s6, $0x1;
	s3 =	sadd.s32 s4, s19  }
0x9c: {  	s7 =	simm.s32 $0x0;
	s20 =	sshll.u32 s5, $0x1;
	s5 =	sadd.s32 s21, s3  }
0x9d: {  	[timem:s7], [sflag:s22] =	dma.local [hbm:s5], s20  }
0x9e: {  	_ =	swait.ge [sflag:s22], s20  }
0x9f: {  	s4 =	ssub.s32 $0x0, s20;
	[sflag:s22] =	ssyncset.done $0x0  }
0xa0: {  	[sflag:s22] =	ssyncadd.s32 s4;
	_ =	sdelay $0x1  }
0xa1: {  	s23 =	simm.s32 $0x1B8B  }
0xa2: {  	_ =	swait.ge [sflag:s23], $0x1  }
0xa3: {  	[sflag:s23] =	ssyncset.done $0x0  }
0xa4: {  	s25 =	simm.s32 $0x1B8E;
	s24 =	sld [smem:$0x3FFE];
	[sflag:s23] =	ssyncadd.s32 $0xFFFFFFFF  }
0xa5: {  	s26 =	simm.s32 $execute0_lowered;
	[smem:$0x3FD2] =	sst s25  }
0xa6: {  	s5 =	sshll.u32 s26, $0x1;
	_ =	strace $0x80000046;
	[dreg:$0x1] =	wrdreg $0xFFFFFFFF  }
0xa7: {  	s28 =	simm.s32 $_size_execute0_lowered;
	s3 =	sadd.s32 s3, s5;
	[dreg:$0x0] =	wrdreg $0x0  }
0xa8: {  	s5 =	sshll.u32 s28, $0x1;
	[dreg:$0x2] =	wrdreg s3  }
0xa9: {  	[dreg:$0x3] =	wrdreg s5  }
0xaa: {  	[dreg:$0x4] =	wrdreg $0xC0  }
0xab: {  	_ =	task [dreg:s7], $0x5FFFF  }
0xac: {  	[dreg:$0x1] =	wrdreg $0xFFFFFFFF  }
0xad: {  	[dreg:$0x0] =	wrdreg $0x60  }
0xae: {  	[dreg:$0x2] =	wrdreg s2  }
0xaf: {  	[dreg:$0x3] =	wrdreg s24  }
0xb0: {  	[dreg:$0x4] =	wrdreg $0x9  }
0xb1: {  	_ =	task.clear_ibuf [dreg:s7], $0x5FFFF;
	_ =	strace $0x90000046  }
0xb2: {  	s29 =	simm.s32 $0x9;
	_ =	strace $0x80000048  }
0xb3: {  	_ =	swait.ge [sflag:s29], $0x1  }
0xb4: {  	[sflag:s29] =	ssyncadd.s32 $0xFFFFFFFF  }
0xb5: {  	_ =	strace $0x90000048  }
0xb6: {  	_ =	sfence  }
0xb7: {  	s30 =	sld [smem:$0x0];
	_ =	sdelay $0x2  }
0xb8: {  	s31 =	sshll.u32 s1, $0xD;
	s1 =	sshrl.u32 s1, $0x2  }
0xb9: {  	s3 =	sand.u32 $0x4000, s31;
	s1 =	sadd.s32 s1, s30  }
0xba: {  	s0 =	sor.u32 s3, s0;
	s1 =	sshll.u32 s1, $0x11  }
0xbb: {  	s0 =	sor.u32 s1, s0  }
0xbc: {  	s0 =	sadd.s32 $0x8F2B, s0  }
0xbd: {  	[sflag:s0] =	ssyncadd.remote.s32 $0x1  }
0xbe: {  	_ =	sfence.sel $0xFFFF  }
0xbf: {  	[dreg:$0x0] =	wrdreg $0xFFFFFFFF;
	(pc) =	sbr.abs _section_cstart, $3  }
0xc0: {  	[dreg:$0x1] =	wrdreg $0xFFFFFFFF  }
0xc1: {  	_ =	task.clear_ibuf [dreg:s7], $0x2FFFF;
	_ =	strace $0x9FFFFFFF  }
0xc2: {  	(tm) =	ssettm $0x7FFFFFFF  }
0xc3: {  	_ =	shalt  }
tec
execute0_lowered:
.L_overlay_start_1:
0x0: {  	(tag) =	ssettag $0x1  }
0x1: {  	s1 =	srdreg.scid;
	s2 =	rddreg [dreg:$0x0]  }
0x2: {  	s0 =	stileid.u32;
	s5 =	rddreg [dreg:$0x1];
	s3 =	simm.s32 $0x0  }
0x3: {  	s8 =	simm.s32 $0x80;
	s9 =	simm.s32 $0x880;
	s10 =	simm.s32 $0x1080  }
0x4: {  	s11 =	simm.s32 $0x1880;
	s12 =	simm.s32 $0x2080;
	s13 =	simm.s32 $0x2880  }
0x5: {  	s14 =	simm.s32 $0x3080;
	s4 =	sand.u32 $0x1, s1;
	s30 =	sshll.u32 s0, $0x1  }
0x6: {  	s15 =	simm.s32 $0x3880;
	s16 =	simm.s32 $0x4080;
	s6 =	sor.u32 s4, s30  }
0x7: {  	s17 =	simm.s32 $0x1;
	s1 =	rddreg [dreg:$0x2];
	s7 =	smul.u32 $0x9, s6  }
0x8: {  	[smem:$0x7FF] =	sst s3;
	s4 =	ssub.s32 $0x2, s4;
	s6 =	smul.u32 $0x900, s6  }
0x9: {  	v2 =	vlaneseq.u32;
	_ =	strace $0x80000047;
	s31 =	sshrl.u32 s4, $0x1;
	s7 =	sadd.s32 s7, s5  }
0xa: {  	vm0 =	vmmov $0xffff;
	v1 =	vshrl.u32 v2, $0x3;
	s5 =	sadd.s32 s6, s5;
	s6 =	ssub.s32 s4, s31;
	s4 =	sadd.s32 $0x1C00, s7  }
0xb: {  	v0 =	vand.u32 $0x7, v2;
	v2 =	vor.u32 $0x8, v2;
	v1 =	vmul.u32 $0x8, v1;
	s5 =	sadd.s32 $0x1E00, s5;
	s6 =	smax.u32 s6, $0x1;
	s7 =	simm.s32 $0x2  }
.LBB2_1:
0xc: {  	[tilespmem:s3], [sflag:$0x2] =	stream.linear.gather [hbm4b:s4+s3], $0x48, $0x38;
	[tilespmem:$0x4880] =	vst v63  }
0xd: {  	_ =	swait.ge [sflag:s7], $0x48  }
0xe: {  	[sflag:s7] =	ssyncset.done $0x0  }
0xf: {  	[sflag:s7] =	ssyncadd.s32 $0xFFFFFFB8  }
0x10: {  	v3 =	vld [tilespmem:$0x0];
	_ =	sdelay $0x4  }
0x11: {  	v4 =	vshll.u32 v3, $0x1  }
0x12: {  	v3 =	vand.u32 $0x7, v3;
	v4 =	vand.u32 $0xFFFFFFF0, v4  }
0x13: {  	v3 =	vor.u32 v3, v4  }
0x14: {  	v4 =	vperm.xlane v3, v0;
	_ =	sdelay $0x1  }
0x15: {  	v3 =	vperm.xlane v3, v2;
	v4 =	vadd.s32 v1, v4;
	_ =	sdelay $0x1  }
0x16: {  	v3 =	vadd.s32 v1, v3;
	_ =	sdelay $0x2  }
0x17: {  	[tilespmem:s8], [sflag:$0x1] =	stream.indirect_vreg.gather [hbm4b:s2+s3], $0x80, v4, vm0, $0xb8;
	[tilespmem:$0x4880] =	vst v63  }
0x18: {  	_ = 	snop  }
0x19: {  	[tilespmem:s9], [sflag:$0x1] =	stream.indirect_vreg.gather [hbm4b:s2+s3], $0x80, v3, vm0, $0xb8;
	[tilespmem:$0x4880] =	vst v63  }
0x1a: {  	v3 =	vld [tilespmem:$0x10];
	_ =	sdelay $0x4  }
0x1b: {  	v60 =	vshll.u32 v3, $0x1  }
0x1c: {  	v3 =	vand.u32 $0x7, v3;
	v4 =	vand.u32 $0xFFFFFFF0, v60  }
0x1d: {  	v3 =	vor.u32 v3, v4  }
0x1e: {  	v4 =	vperm.xlane v3, v0;
	_ =	sdelay $0x1  }
0x1f: {  	v3 =	vperm.xlane v3, v2;
	v4 =	vadd.s32 v1, v4;
	_ =	sdelay $0x1  }
0x20: {  	v3 =	vadd.s32 v1, v3;
	_ =	sdelay $0x2  }
0x21: {  	[tilespmem:s10], [sflag:$0x1] =	stream.indirect_vreg.gather [hbm4b:s2+s3], $0x80, v4, vm0, $0xb8;
	[tilespmem:$0x4880] =	vst v63  }
0x22: {  	_ = 	snop  }
0x23: {  	[tilespmem:s11], [sflag:$0x1] =	stream.indirect_vreg.gather [hbm4b:s2+s3], $0x80, v3, vm0, $0xb8;
	[tilespmem:$0x4880] =	vst v63  }
0x24: {  	v3 =	vld [tilespmem:$0x20];
	_ =	sdelay $0x4  }
0x25: {  	v61 =	vshll.u32 v3, $0x1  }
0x26: {  	v3 =	vand.u32 $0x7, v3;
	v4 =	vand.u32 $0xFFFFFFF0, v61  }
0x27: {  	v3 =	vor.u32 v3, v4  }
0x28: {  	v4 =	vperm.xlane v3, v0;
	_ =	sdelay $0x1  }
0x29: {  	v3 =	vperm.xlane v3, v2;
	v4 =	vadd.s32 v1, v4;
	_ =	sdelay $0x1  }
0x2a: {  	v3 =	vadd.s32 v1, v3;
	_ =	sdelay $0x2  }
0x2b: {  	[tilespmem:s12], [sflag:$0x1] =	stream.indirect_vreg.gather [hbm4b:s2+s3], $0x80, v4, vm0, $0xb8;
	[tilespmem:$0x4880] =	vst v63  }
0x2c: {  	_ = 	snop  }
0x2d: {  	[tilespmem:s13], [sflag:$0x1] =	stream.indirect_vreg.gather [hbm4b:s2+s3], $0x80, v3, vm0, $0xb8;
	[tilespmem:$0x4880] =	vst v63  }
0x2e: {  	v3 =	vld [tilespmem:$0x30];
	_ =	sdelay $0x4  }
0x2f: {  	v62 =	vshll.u32 v3, $0x1  }
0x30: {  	v3 =	vand.u32 $0x7, v3;
	v4 =	vand.u32 $0xFFFFFFF0, v62  }
0x31: {  	v3 =	vor.u32 v3, v4  }
0x32: {  	v4 =	vperm.xlane v3, v0;
	_ =	sdelay $0x1  }
0x33: {  	v3 =	vperm.xlane v3, v2;
	v4 =	vadd.s32 v1, v4;
	_ =	sdelay $0x1  }
0x34: {  	v3 =	vadd.s32 v1, v3;
	_ =	sdelay $0x2  }
0x35: {  	[tilespmem:s14], [sflag:$0x1] =	stream.indirect_vreg.gather [hbm4b:s2+s3], $0x80, v4, vm0, $0xb8;
	[tilespmem:$0x4880] =	vst v63  }
0x36: {  	_ = 	snop  }
0x37: {  	[tilespmem:s15], [sflag:$0x1] =	stream.indirect_vreg.gather [hbm4b:s2+s3], $0x80, v3, vm0, $0xb8;
	[tilespmem:$0x4880] =	vst v63  }
0x38: {  	v3 =	vld.msk [tilespmem:$0x40], $0xff;
	_ =	sdelay $0x4  }
0x39: {  	v63 =	vshll.u32 v3, $0x1  }
0x3a: {  	v3 =	vand.u32 $0x7, v3;
	v4 =	vand.u32 $0xFFFFFFF0, v63  }
0x3b: {  	v3 =	vor.u32 v3, v4  }
0x3c: {  	v3 =	vperm.xlane v3, v0;
	_ =	sdelay $0x1  }
0x3d: {  	v3 =	vadd.s32 v1, v3;
	_ =	sdelay $0x4  }
0x3e: {  	[tilespmem:s16], [sflag:$0x1] =	stream.indirect_vreg.gather [hbm4b:s2+s3], $0x80, v3, vm0, $0xb8;
	[tilespmem:$0x4880] =	vst v63  }
0x3f: {  	_ =	swait.ge [sflag:s17], $0x4800  }
0x40: {  	p0 =	sne.s32 s6, $0x1;
	[sflag:s17] =	ssyncset.done $0x0  }
.Ltmp0:
0x41: {  	[sflag:s17] =	ssyncadd.s32 $0xFFFFB800;
	(pc) =	sbr.rel @p0 .LBB2_1-.Ltmp0, $4  }
0x42: {  	[hbm4b:s5+s3] =	stream.linear.scatter [tilespmem:s8], [sflag:$0x2], $0x4800, $0x38;
	[tilespmem:$0x4880] =	vst v63  }
0x43: {  	_ =	swait.ge [sflag:s7], $0x4800  }
0x44: {  	[sflag:s7] =	ssyncset.done $0x0  }
0x45: {  	s6 =	sadd.s32 $0xFFFFFFFF, s6;
	[sflag:s7] =	ssyncadd.s32 $0xFFFFB800  }
0x46: {  	_ =	sfence.sel $0x180000  }
0x47: {  	[bflag:$0x0] =	sbarrier.arrive $0xFFFF  }
0x48: {  	p0 =	sne.s32 s0, $0x0;
	_ =	strace $0x90000047  }
0x49: {  	s0 =	sadd.s32 @!p0 $0x100000, s1;
	[bflag:$0x2] =	sbarrier.arrive $0xFFFF  }
0x4a: {  	[sflag:s0] =	ssyncadd.tile.s32 @!p0 $0x1;
	_ =	shalt  }
.Lfunc_end2:
_tile_overlayer_lowered:
.L_overlay_start_2:
0x4b: {  	(tag) =	ssettag $0x2  }
0x4c: {  	s0 =	rddreg [dreg:$0x0];
	s2 =	stileid.u32  }
0x4d: {  	s1 =	rddreg [dreg:$0x1];
	p0 =	sne.s32 s2, $0x0  }
0x4e: {  	s3 =	rddreg [dreg:$0x2];
	[bflag:$0x3] =	sbarrier.arrive $0xFFFF;
	s2 =	simm.s32 @!p0 $0x1C02  }
0x4f: {  	[timem:s3], [sflag:s2] =	dma.local @!p0 [hbm:s0], s1  }
0x50: {  	s0 =	simm.s32 @!p0 $0x2  }
0x51: {  	_ =	swait.ge @!p0 [sflag:s0], s1  }
0x52: {  	s1 =	ssub.s32 @!p0 $0x0, s1;
	[sflag:s0] =	ssyncset.done @!p0 $0x0  }
0x53: {  	[sflag:s0] =	ssyncadd.s32 @!p0 s1  }
0x54: {  	[bflag:$0x3] =	sbarrier.arrive $0xFFFF  }
0x55: {  	_ =	shalt  }

// kernel: kernel.9.cloned.1.call-start
scs
__scs_entry_jumppad:
0x0: {  	(pc) =	sbr.rel $0x88, $3  }
0x1: {  	(tag) =	ssettag $0x0;
	lr =	simm.s32 $0x1  }
0x2: {  	[smem:$0x3F9F] =	sst lr;
	_ =	strace $0xD0000000  }
0x3: {  	_ = 	snop  }
0x4: {  	_ = 	snop  }
0x5: {  	_ = 	snop  }
0x6: {  	_ = 	snop  }
0x7: {  	_ = 	snop  }
__scs_overlays_trampoline_lowered:
0x8: {  	[smem:$0x3FAE] =	sst s0  }
0x9: {  	[smem:$0x3FAF] =	sst s1  }
0xa: {  	[smem:$0x3FB0] =	sst s2  }
0xb: {  	[smem:$0x3FB1] =	sst s3  }
0xc: {  	[smem:$0x3FB2] =	sst s4  }
0xd: {  	[smem:$0x3FB3] =	sst s5  }
0xe: {  	[smem:$0x3FB4] =	sst s6  }
0xf: {  	[smem:$0x3FB5] =	sst s7  }
0x10: {  	[smem:$0x3FB6] =	sst s8  }
0x11: {  	[smem:$0x3FB7] =	sst s9;
	s0 =	simm.s32 @!p0 $0x0  }
0x12: {  	s1 =	sld [smem:$0x3F9D];
	s0 =	simm.s32 @p0 $0x1  }
0x13: {  	[smem:$0x3FB8] =	sst s0;
	s0 =	simm.s32 @!p1 $0x0  }
0x14: {  	s2 =	sld [smem:$0x3F9C];
	s0 =	simm.s32 @p1 $0x1  }
0x15: {  	[smem:$0x3FB9] =	sst s0;
	s0 =	simm.s32 @!p2 $0x0  }
0x16: {  	s3 =	sld [smem:$0x3FDB];
	s0 =	simm.s32 @p2 $0x1  }
0x17: {  	s4 =	simm.s32 $0x1BF5;
	[smem:$0x3FBB] =	sst s0  }
0x18: {  	s0 =	sld [smem:$0x3F9E];
	_ =	swait.ge [sflag:s4], $0x0  }
0x19: {  	s7 =	sld [smem:$0x3F9F]  }
0x1a: {  	s8 =	sadd.s32 $0xFFFFE003, lr  }
0x1b: {  	s9 =	sadd.s32 $0xFFFFFEF7, lr;
	s5 =	simm.s32 $0xFFFFFFFF;
	p2 =	slt.u32 s8, $0xFFFFF086  }
0x1c: {  	p1 =	slt.u32 s9, $0xF7A;
	s5 =	simm.s32 @!p2 $0x0  }
0x1d: {  	s5 =	simm.s32 @p1 $0x1;
	p0 =	seq.s32 s7, s2  }
0x1e: {  	s7 =	smul.u32 @!p0 $0xF7A, s2;
	p2 =	seq.s32 @!p0 s5, $0x0  }
0x1f: {  	s9 =	smul.u32 $0xF7A, s1;
	s8 =	simm.s32 @!p0 $0x1BF5;
	p2 =	por !p2, p0  }
0x20: {  	[sflag:s8] =	ssyncset.s32 @!p0 $0xFFFFF086;
	s6 =	sadd.s32 @!p0 s3, s7;
	s7 =	simm.s32 @!p0 $0x108  }
0x21: {  	s3 =	sadd.s32 s3, s9;
	s6 =	sadd.s32 @!p0 $0x88, s6;
	s7 =	simm.s32 @p2 $0x1082  }
0x22: {  	[simem:s7], [sflag:s8] =	dma.local @!p0 [hbm:s6], $0xF7A  }
0x23: {  	s9 =	sor.u32 $0xD0000000, s2;
	s6 =	simm.s32 $0x108;
	_ =	swait.ge @!p0 [sflag:s8], $0x0  }
0x24: {  	s3 =	sadd.s32 $0x88, s3;
	s6 =	simm.s32 @!p1 $0x1082;
	[sflag:s4] =	ssyncset.s32 $0xFFFFF086  }
0x25: {  	[simem:s6], [sflag:s4] =	dma.local [hbm:s3], $0xF7A  }
0x26: {  	[smem:$0x3F9F] =	sst s1;
	(tag) =	ssettag s2;
	_ =	strace s9  }
0x27: {  	s1 =	sld [smem:$0x3FAF]  }
0x28: {  	s2 =	sld [smem:$0x3FB0]  }
0x29: {  	s4 =	sld [smem:$0x3FB2]  }
0x2a: {  	p0 =	seq.s32 s5, $0x0;
	s5 =	sld [smem:$0x3FB3]  }
0x2b: {  	s6 =	sld [smem:$0x3FB4]  }
0x2c: {  	s7 =	sld [smem:$0x3FB5]  }
0x2d: {  	s3 =	simm.s32 $0x108;
	s8 =	sld [smem:$0x3FB6]  }
0x2e: {  	s3 =	simm.s32 @!p0 $0x1082;
	s9 =	sld [smem:$0x3FB7]  }
0x2f: {  	lr =	sadd.s32 s0, s3;
	s0 =	sld [smem:$0x3FAE]  }
0x30: {  	s3 =	sld [smem:$0x3FB1]  }
0x31: {  	[smem:$0x3FBA] =	sst s10  }
0x32: {  	s10 =	sld [smem:$0x3FB8];
	_ =	sdelay $0x3  }
0x33: {  	p0 =	seq.s32 s10, $0x1;
	s10 =	sld [smem:$0x3FBA];
	_ =	sdelay $0x3  }
0x34: {  	[smem:$0x3FBA] =	sst s10  }
0x35: {  	s10 =	sld [smem:$0x3FB9];
	_ =	sdelay $0x3  }
0x36: {  	p1 =	seq.s32 s10, $0x1;
	s10 =	sld [smem:$0x3FBA];
	_ =	sdelay $0x3  }
0x37: {  	[smem:$0x3FBA] =	sst s10  }
0x38: {  	s10 =	sld [smem:$0x3FBB]  }
0x39: {  	_ = 	snop;
	(pc) =	sbr.ind lr, $3  }
0x3a: {  	_ = 	snop  }
0x3b: {  	_ = 	snop  }
0x3c: {  	p2 =	seq.s32 s10, $0x1;
	s10 =	sld [smem:$0x3FBA]  }
0x3d: {  	_ =	shalt  }
0x3e: {  	_ =	shalt  }
0x3f: {  	_ =	shalt  }
0x40: {  	_ =	shalt  }
0x41: {  	_ =	shalt  }
0x42: {  	_ =	shalt  }
0x43: {  	_ =	shalt  }
0x44: {  	_ =	shalt  }
0x45: {  	_ =	shalt  }
0x46: {  	_ =	shalt  }
0x47: {  	_ =	shalt  }
0x48: {  	_ =	shalt  }
0x49: {  	_ =	shalt  }
0x4a: {  	_ =	shalt  }
0x4b: {  	_ =	shalt  }
0x4c: {  	_ =	shalt  }
0x4d: {  	_ =	shalt  }
0x4e: {  	_ =	shalt  }
0x4f: {  	_ =	shalt  }
0x50: {  	_ =	shalt  }
0x51: {  	_ =	shalt  }
0x52: {  	_ =	shalt  }
0x53: {  	_ =	shalt  }
0x54: {  	_ =	shalt  }
0x55: {  	_ =	shalt  }
0x56: {  	_ =	shalt  }
0x57: {  	_ =	shalt  }
0x58: {  	_ =	shalt  }
0x59: {  	_ =	shalt  }
0x5a: {  	_ =	shalt  }
0x5b: {  	_ =	shalt  }
0x5c: {  	_ =	shalt  }
0x5d: {  	_ =	shalt  }
0x5e: {  	_ =	shalt  }
0x5f: {  	_ =	shalt  }
0x60: {  	_ =	shalt  }
0x61: {  	_ =	shalt  }
0x62: {  	_ =	shalt  }
0x63: {  	_ =	shalt  }
0x64: {  	_ =	shalt  }
0x65: {  	_ =	shalt  }
0x66: {  	_ =	shalt  }
0x67: {  	_ =	shalt  }
0x68: {  	_ =	shalt  }
0x69: {  	_ =	shalt  }
0x6a: {  	_ =	shalt  }
0x6b: {  	_ =	shalt  }
0x6c: {  	_ =	shalt  }
0x6d: {  	_ =	shalt  }
0x6e: {  	_ =	shalt  }
0x6f: {  	_ =	shalt  }
0x70: {  	_ =	shalt  }
0x71: {  	_ =	shalt  }
0x72: {  	_ =	shalt  }
0x73: {  	_ =	shalt  }
0x74: {  	_ =	shalt  }
0x75: {  	_ =	shalt  }
0x76: {  	_ =	shalt  }
0x77: {  	_ =	shalt  }
0x78: {  	_ =	shalt  }
0x79: {  	_ =	shalt  }
0x7a: {  	_ =	shalt  }
0x7b: {  	_ =	shalt  }
0x7c: {  	_ =	shalt  }
0x7d: {  	_ =	shalt  }
0x7e: {  	_ =	shalt  }
0x7f: {  	_ =	shalt  }
0x80: {  	_ =	shalt  }
0x81: {  	_ =	shalt  }
0x82: {  	_ =	shalt  }
0x83: {  	_ =	shalt  }
0x84: {  	_ =	shalt  }
0x85: {  	_ =	shalt  }
0x86: {  	_ =	shalt  }
0x87: {  	_ =	shalt  }
.Lfunc_end0:
.L_simem_size_0:
called_computation.1_lowered:
.L_overlay_start_0:
0x88: {  	s2 =	sld [smem:$0x3FD9]  }
0x89: {  	s3 =	sld [smem:$0x3FFE];
	_ =	sdelay $0x1  }
0x8a: {  	s1 =	srdreg.scid  }
0x8b: {  	s0 =	sand.u32 $0x1, s1  }
0x8c: {  	s15 =	sshll.u32 s0, $0xA;
	s2 =	sadd.s32 s3, s2  }
0x8d: {  	s2 =	sadd.s32 s2, s15  }
0x8e: {  	[smem:$0x3FC6] =	sst s2  }
0x8f: {  	_ = 	snop  }
0x90: {  	s16 =	sld [smem:$0x3FD0];
	_ =	sdelay $0x2  }
0x91: {  	s4 =	simm.s32 $0xB;
	s5 =	simm.s32 $0x10;
	s2 =	sld [smem:$0x3FC8]  }
0x92: {  	[smem:s5], [sflag:s4] =	dma.local [hbm:s16], $0x1  }
0x93: {  	_ =	swait.eq [sflag:s4], $0x1  }
0x94: {  	[sflag:s4] =	ssyncset.done $0x0  }
0x95: {  	[sflag:s4] =	ssyncadd.s32 $0xFFFFFFFF  }
0x96: {  	s17 =	sld [smem:$0x10];
	(tm) =	ssettm $0x1  }
0x97: {  	s18 =	sld [smem:$0x3FFB];
	_ =	sdelay $0x3  }
0x98: {  	_ =	strace s18  }
0x99: {  	s3 =	sld [smem:$0x3FFC];
	_ =	sdelay $0x3  }
0x9a: {  	_ =	strace s3  }
0x9b: {  	s3 =	sld [smem:$0x3FFD];
	_ =	sdelay $0x3  }
0x9c: {  	_ =	strace s3  }
0x9d: {  	_ =	strace $0x8FFFFFFF  }
0x9e: {  	s19 =	sld [smem:$0x3FDB];
	_ =	sdelay $0x1  }
0x9f: {  	s20 =	simm.s32 $_scs_section_size  }
0xa0: {  	s6 =	simm.s32 $_size__tile_overlayer_lowered;
	s7 =	simm.s32 $_tile_overlayer_lowered  }
0xa1: {  	s8 =	simm.s32 $0x1BFF;
	s21 =	sshll.u32 s7, $0x1;
	s5 =	sadd.s32 s20, s19  }
0xa2: {  	s22 =	simm.s32 $0x0;
	s6 =	sshll.u32 s6, $0x1;
	s7 =	sadd.s32 s21, s5  }
0xa3: {  	[timem:s22], [sflag:s8] =	dma.local [hbm:s7], s6  }
0xa4: {  	_ =	swait.ge [sflag:s8], s6  }
0xa5: {  	s6 =	ssub.s32 $0x0, s6;
	[sflag:s8] =	ssyncset.done $0x0  }
0xa6: {  	[sflag:s8] =	ssyncadd.s32 s6;
	_ =	sdelay $0x1  }
0xa7: {  	s23 =	simm.s32 $0x1B8B  }
0xa8: {  	_ =	swait.ge [sflag:s23], $0x1  }
0xa9: {  	[sflag:s23] =	ssyncset.done $0x0  }
0xaa: {  	[sflag:s23] =	ssyncadd.s32 $0xFFFFFFFF  }
0xab: {  	s6 =	sld [smem:$0x0]  }
0xac: {  	s7 =	sand.u32 $0xFFFFFFFE, s1  }
0xad: {  	p0 =	sne.s32 s1, s7  }
0xae: {  	s7 =	sshll.u32 @p0 s7, $0xE  }
0xaf: {  	s7 =	sadd.s32 @p0 $0x11B8D, s7;
	s8 =	sshll.u32 @p0 s6, $0x11  }
0xb0: {  	s7 =	sor.u32 @p0 s8, s7  }
0xb1: {  	[sflag:s7] =	ssyncadd.remote.s32 @p0 $0x1;
	_ =	sdelay $0x1  }
0xb2: {  	s7 =	simm.s32 @p0 $0x1B8D  }
0xb3: {  	_ =	swait.eq @p0 [sflag:s7], $0x1  }
0xb4: {  	[sflag:s7] =	ssyncadd.s32 @p0 $0xFFFFFFFF  }
0xb5: {  	s8 =	sshll.u32 @!p0 s1, $0xE  }
0xb6: {  	s8 =	sor.u32 @!p0 $0x4000, s8;
	s7 =	simm.s32 @!p0 $0x1B8D  }
0xb7: {  	s6 =	sshll.u32 @!p0 s6, $0x11;
	s8 =	sadd.s32 @!p0 $0x11B8D, s8;
	_ =	swait.eq @!p0 [sflag:s7], $0x1  }
0xb8: {  	s6 =	sor.u32 @!p0 s6, s8;
	[sflag:s7] =	ssyncadd.s32 @!p0 $0xFFFFFFFF  }
0xb9: {  	s25 =	simm.s32 $0x1B8E;
	s24 =	sld [smem:$0x3FFE];
	[sflag:s6] =	ssyncadd.remote.s32 @!p0 $0x1  }
0xba: {  	s26 =	simm.s32 $execute0_lowered;
	[smem:$0x3FD2] =	sst s25  }
0xbb: {  	s7 =	sshll.u32 s26, $0x1;
	_ =	strace $0x80000049;
	[dreg:$0x1] =	wrdreg $0xFFFFFFFF  }
0xbc: {  	s28 =	simm.s32 $_size_execute0_lowered;
	s5 =	sadd.s32 s5, s7;
	[dreg:$0x0] =	wrdreg $0x0  }
0xbd: {  	s7 =	sshll.u32 s28, $0x1;
	[dreg:$0x2] =	wrdreg s5  }
0xbe: {  	[dreg:$0x3] =	wrdreg s7  }
0xbf: {  	[dreg:$0x4] =	wrdreg $0xC0  }
0xc0: {  	_ =	task [dreg:s22], $0x5FFFF  }
0xc1: {  	[dreg:$0x1] =	wrdreg $0xFFFFFFFF  }
0xc2: {  	[dreg:$0x0] =	wrdreg $0x60  }
0xc3: {  	[dreg:$0x2] =	wrdreg s2  }
0xc4: {  	[dreg:$0x3] =	wrdreg s17  }
0xc5: {  	[dreg:$0x4] =	wrdreg s24  }
0xc6: {  	[dreg:$0x5] =	wrdreg $0xA  }
0xc7: {  	_ =	task.clear_ibuf [dreg:s22], $0x6FFFF;
	_ =	strace $0x90000049  }
0xc8: {  	s29 =	simm.s32 $0xA;
	_ =	strace $0x8000004B  }
0xc9: {  	_ =	swait.ge [sflag:s29], $0x1  }
0xca: {  	[sflag:s29] =	ssyncadd.s32 $0xFFFFFFFF  }
0xcb: {  	_ =	strace $0x9000004B  }
0xcc: {  	_ =	sfence  }
0xcd: {  	s30 =	sld [smem:$0x0];
	_ =	sdelay $0x2  }
0xce: {  	s31 =	sshll.u32 s1, $0xD;
	s1 =	sshrl.u32 s1, $0x2  }
0xcf: {  	s4 =	sand.u32 $0x4000, s31;
	s1 =	sadd.s32 s1, s30  }
0xd0: {  	s0 =	sor.u32 s4, s0;
	s1 =	sshll.u32 s1, $0x11  }
0xd1: {  	s0 =	sor.u32 s1, s0  }
0xd2: {  	s0 =	sadd.s32 $0x8F2B, s0  }
0xd3: {  	[sflag:s0] =	ssyncadd.remote.s32 $0x1  }
0xd4: {  	_ =	sfence.sel $0xFFFF  }
0xd5: {  	[dreg:$0x0] =	wrdreg $0xFFFFFFFF;
	(pc) =	sbr.abs _section_cstart, $3  }
0xd6: {  	[dreg:$0x1] =	wrdreg $0xFFFFFFFF  }
0xd7: {  	_ =	task.clear_ibuf [dreg:s22], $0x2FFFF;
	_ =	strace $0x9FFFFFFF  }
0xd8: {  	(tm) =	ssettm $0x7FFFFFFF  }
0xd9: {  	_ =	shalt  }
tec
execute0_lowered:
.L_overlay_start_1:
0x0: {  	(tag) =	ssettag $0x1  }
0x1: {  	s1 =	rddreg [dreg:$0x0]  }
0x2: {  	s2 =	srdreg.scid;
	s4 =	rddreg [dreg:$0x1]  }
0x3: {  	s0 =	stileid.u32;
	s6 =	rddreg [dreg:$0x2]  }
0x4: {  	s3 =	simm.s32 $0x0;
	s9 =	simm.s32 $0x880;
	s10 =	simm.s32 $0x1080  }
0x5: {  	s11 =	simm.s32 $0x1880;
	s12 =	simm.s32 $0x2080;
	s13 =	simm.s32 $0x2880  }
0x6: {  	s14 =	simm.s32 $0x3080;
	s5 =	sand.u32 $0x1, s2;
	s30 =	sshll.u32 s0, $0x1  }
0x7: {  	s15 =	simm.s32 $0x3880;
	s16 =	simm.s32 $0x4080;
	s7 =	sor.u32 s5, s30  }
0x8: {  	s17 =	simm.s32 $0x1;
	s2 =	rddreg [dreg:$0x3];
	s8 =	smul.u32 $0x900, s7  }
0x9: {  	[smem:$0x7FF] =	sst s3;
	s5 =	ssub.s32 $0x2, s5;
	s7 =	smul.u32 $0x9, s7  }
0xa: {  	v2 =	vlaneseq.u32;
	_ =	strace $0x8000004A;
	s31 =	sshrl.u32 s5, $0x1;
	s6 =	sadd.s32 s8, s6  }
0xb: {  	vm0 =	vmmov $0xffff;
	v1 =	vshrl.u32 v2, $0x3;
	s8 =	ssub.s32 s5, s31;
	s4 =	sadd.s32 s4, s7;
	s7 =	simm.s32 $0x2  }
0xc: {  	v0 =	vand.u32 $0x7, v2;
	v2 =	vor.u32 $0x8, v2;
	v1 =	vmul.u32 $0x8, v1;
	s5 =	sadd.s32 $0x13E00, s6;
	s6 =	smax.u32 s8, $0x1;
	s8 =	simm.s32 $0x80  }
.LBB2_1:
0xd: {  	[tilespmem:s3], [sflag:$0x2] =	stream.linear.gather [hbm4b:s4+s3], $0x48, $0x38;
	[tilespmem:$0x4880] =	vst v63  }
0xe: {  	_ =	swait.ge [sflag:s7], $0x48  }
0xf: {  	[sflag:s7] =	ssyncset.done $0x0  }
0x10: {  	[sflag:s7] =	ssyncadd.s32 $0xFFFFFFB8  }
0x11: {  	v3 =	vld [tilespmem:$0x0];
	_ =	sdelay $0x4  }
0x12: {  	v4 =	vshll.u32 v3, $0x1  }
0x13: {  	v3 =	vand.u32 $0x7, v3;
	v4 =	vand.u32 $0xFFFFFFF0, v4  }
0x14: {  	v3 =	vor.u32 v3, v4  }
0x15: {  	v4 =	vperm.xlane v3, v0;
	_ =	sdelay $0x1  }
0x16: {  	v3 =	vperm.xlane v3, v2;
	v4 =	vadd.s32 v1, v4;
	_ =	sdelay $0x1  }
0x17: {  	v3 =	vadd.s32 v1, v3;
	_ =	sdelay $0x2  }
0x18: {  	[tilespmem:s8], [sflag:$0x1] =	stream.indirect_vreg.gather [hbm4b:s1+s3], $0x80, v4, vm0, $0xb8;
	[tilespmem:$0x4880] =	vst v63  }
0x19: {  	_ = 	snop  }
0x1a: {  	[tilespmem:s9], [sflag:$0x1] =	stream.indirect_vreg.gather [hbm4b:s1+s3], $0x80, v3, vm0, $0xb8;
	[tilespmem:$0x4880] =	vst v63  }
0x1b: {  	v3 =	vld [tilespmem:$0x10];
	_ =	sdelay $0x4  }
0x1c: {  	v60 =	vshll.u32 v3, $0x1  }
0x1d: {  	v3 =	vand.u32 $0x7, v3;
	v4 =	vand.u32 $0xFFFFFFF0, v60  }
0x1e: {  	v3 =	vor.u32 v3, v4  }
0x1f: {  	v4 =	vperm.xlane v3, v0;
	_ =	sdelay $0x1  }
0x20: {  	v3 =	vperm.xlane v3, v2;
	v4 =	vadd.s32 v1, v4;
	_ =	sdelay $0x1  }
0x21: {  	v3 =	vadd.s32 v1, v3;
	_ =	sdelay $0x2  }
0x22: {  	[tilespmem:s10], [sflag:$0x1] =	stream.indirect_vreg.gather [hbm4b:s1+s3], $0x80, v4, vm0, $0xb8;
	[tilespmem:$0x4880] =	vst v63  }
0x23: {  	_ = 	snop  }
0x24: {  	[tilespmem:s11], [sflag:$0x1] =	stream.indirect_vreg.gather [hbm4b:s1+s3], $0x80, v3, vm0, $0xb8;
	[tilespmem:$0x4880] =	vst v63  }
0x25: {  	v3 =	vld [tilespmem:$0x20];
	_ =	sdelay $0x4  }
0x26: {  	v61 =	vshll.u32 v3, $0x1  }
0x27: {  	v3 =	vand.u32 $0x7, v3;
	v4 =	vand.u32 $0xFFFFFFF0, v61  }
0x28: {  	v3 =	vor.u32 v3, v4  }
0x29: {  	v4 =	vperm.xlane v3, v0;
	_ =	sdelay $0x1  }
0x2a: {  	v3 =	vperm.xlane v3, v2;
	v4 =	vadd.s32 v1, v4;
	_ =	sdelay $0x1  }
0x2b: {  	v3 =	vadd.s32 v1, v3;
	_ =	sdelay $0x2  }
0x2c: {  	[tilespmem:s12], [sflag:$0x1] =	stream.indirect_vreg.gather [hbm4b:s1+s3], $0x80, v4, vm0, $0xb8;
	[tilespmem:$0x4880] =	vst v63  }
0x2d: {  	_ = 	snop  }
0x2e: {  	[tilespmem:s13], [sflag:$0x1] =	stream.indirect_vreg.gather [hbm4b:s1+s3], $0x80, v3, vm0, $0xb8;
	[tilespmem:$0x4880] =	vst v63  }
0x2f: {  	v3 =	vld [tilespmem:$0x30];
	_ =	sdelay $0x4  }
0x30: {  	v62 =	vshll.u32 v3, $0x1  }
0x31: {  	v3 =	vand.u32 $0x7, v3;
	v4 =	vand.u32 $0xFFFFFFF0, v62  }
0x32: {  	v3 =	vor.u32 v3, v4  }
0x33: {  	v4 =	vperm.xlane v3, v0;
	_ =	sdelay $0x1  }
0x34: {  	v3 =	vperm.xlane v3, v2;
	v4 =	vadd.s32 v1, v4;
	_ =	sdelay $0x1  }
0x35: {  	v3 =	vadd.s32 v1, v3;
	_ =	sdelay $0x2  }
0x36: {  	[tilespmem:s14], [sflag:$0x1] =	stream.indirect_vreg.gather [hbm4b:s1+s3], $0x80, v4, vm0, $0xb8;
	[tilespmem:$0x4880] =	vst v63  }
0x37: {  	_ = 	snop  }
0x38: {  	[tilespmem:s15], [sflag:$0x1] =	stream.indirect_vreg.gather [hbm4b:s1+s3], $0x80, v3, vm0, $0xb8;
	[tilespmem:$0x4880] =	vst v63  }
0x39: {  	v3 =	vld.msk [tilespmem:$0x40], $0xff;
	_ =	sdelay $0x4  }
0x3a: {  	v63 =	vshll.u32 v3, $0x1  }
0x3b: {  	v3 =	vand.u32 $0x7, v3;
	v4 =	vand.u32 $0xFFFFFFF0, v63  }
0x3c: {  	v3 =	vor.u32 v3, v4  }
0x3d: {  	v3 =	vperm.xlane v3, v0;
	_ =	sdelay $0x1  }
0x3e: {  	v3 =	vadd.s32 v1, v3;
	_ =	sdelay $0x4  }
0x3f: {  	[tilespmem:s16], [sflag:$0x1] =	stream.indirect_vreg.gather [hbm4b:s1+s3], $0x80, v3, vm0, $0xb8;
	[tilespmem:$0x4880] =	vst v63  }
0x40: {  	_ =	swait.ge [sflag:s17], $0x4800  }
0x41: {  	p0 =	sne.s32 s6, $0x1;
	[sflag:s17] =	ssyncset.done $0x0  }
.Ltmp0:
0x42: {  	[sflag:s17] =	ssyncadd.s32 $0xFFFFB800;
	(pc) =	sbr.rel @p0 .LBB2_1-.Ltmp0, $4  }
0x43: {  	[hbm4b:s5+s3] =	stream.linear.scatter [tilespmem:s8], [sflag:$0x2], $0x4800, $0x38;
	[tilespmem:$0x4880] =	vst v63  }
0x44: {  	_ =	swait.ge [sflag:s7], $0x4800  }
0x45: {  	[sflag:s7] =	ssyncset.done $0x0  }
0x46: {  	s6 =	sadd.s32 $0xFFFFFFFF, s6;
	[sflag:s7] =	ssyncadd.s32 $0xFFFFB800  }
0x47: {  	_ =	sfence.sel $0x180000  }
0x48: {  	[bflag:$0x0] =	sbarrier.arrive $0xFFFF  }
0x49: {  	p0 =	sne.s32 s0, $0x0;
	_ =	strace $0x9000004A  }
0x4a: {  	s0 =	sadd.s32 @!p0 $0x100000, s2;
	[bflag:$0x2] =	sbarrier.arrive $0xFFFF  }
0x4b: {  	[sflag:s0] =	ssyncadd.tile.s32 @!p0 $0x1;
	_ =	shalt  }
.Lfunc_end2:
_tile_overlayer_lowered:
.L_overlay_start_2:
0x4c: {  	(tag) =	ssettag $0x2  }
0x4d: {  	s0 =	rddreg [dreg:$0x0];
	s2 =	stileid.u32  }
0x4e: {  	s1 =	rddreg [dreg:$0x1];
	p0 =	sne.s32 s2, $0x0  }
0x4f: {  	s3 =	rddreg [dreg:$0x2];
	[bflag:$0x3] =	sbarrier.arrive $0xFFFF;
	s2 =	simm.s32 @!p0 $0x1C02  }
0x50: {  	[timem:s3], [sflag:s2] =	dma.local @!p0 [hbm:s0], s1  }
0x51: {  	s0 =	simm.s32 @!p0 $0x2  }
0x52: {  	_ =	swait.ge @!p0 [sflag:s0], s1  }
0x53: {  	s1 =	ssub.s32 @!p0 $0x0, s1;
	[sflag:s0] =	ssyncset.done @!p0 $0x0  }
0x54: {  	[sflag:s0] =	ssyncadd.s32 @!p0 s1  }
0x55: {  	[bflag:$0x3] =	sbarrier.arrive $0xFFFF  }
0x56: {  	_ =	shalt  }

</sc_bundles>
